<compile_context>
chip_gen: v7x
topology: tpu7x:2x2x1
jax: 0.10.2.dev20260603
libtpu: 0.0.44.dev20260713+nightly
codegen_flags: <defaults>
</compile_context>

<pallas_src>
import jax
import jax.numpy as jnp
from jax import lax
from jax.experimental import pallas as pl
from jax.experimental.pallas import tpu as pltpu
from jax.experimental.pallas import tpu_sc as plsc

_F = 250
_NB = 20
_N = _F * _NB
_T = 640
_G = (_N + _T - 1) // _T
_NW = 32
_TROWS = 160
_TPAD = _NW * _TROWS


def _sc_band_body(a_hbm, b_hbm, band_hbm, atab, btab, vbuf):
    w = lax.axis_index("s") * 2 + lax.axis_index("c")
    iota = lax.iota(jnp.int32, 16)
    c0 = jnp.full((16,), 0, jnp.int32)
    c1 = jnp.full((16,), 1, jnp.int32)
    c2 = jnp.full((16,), 2, jnp.int32)
    c3 = jnp.full((16,), 3, jnp.int32)
    tbase = _TROWS * w

    pltpu.sync_copy(a_hbm.at[pl.ds(tbase, _TROWS), :], atab)
    pltpu.sync_copy(b_hbm.at[pl.ds(tbase, _TROWS), :], btab)

    nrows = jnp.clip(_N - tbase, 0, _TROWS)
    nchunks = nrows * _NB // 16

    def chunk(cc, carry):
        f = 16 * cc + iota
        row = f // _NB
        j = f % _NB
        blk = tbase // _NB + row // _NB
        ai = row
        bi = (row // _NB) * _NB + j

        ax1 = plsc.load_gather(atab, [ai, c0])
        ay1 = plsc.load_gather(atab, [ai, c1])
        ax2 = plsc.load_gather(atab, [ai, c2])
        ay2 = plsc.load_gather(atab, [ai, c3])
        bx1 = plsc.load_gather(btab, [bi, c0])
        by1 = plsc.load_gather(btab, [bi, c1])
        bx2 = plsc.load_gather(btab, [bi, c2])
        by2 = plsc.load_gather(btab, [bi, c3])

        inter_x1 = jnp.maximum(ax1, bx1)
        inter_x2 = jnp.minimum(ax2, bx2)
        inter_y1 = jnp.maximum(ay1, by1)
        inter_y2 = jnp.minimum(ay2, by2)
        inter_area = (
            jnp.maximum(inter_x2 - inter_x1, 0.0)
            * jnp.maximum(inter_y2 - inter_y1, 0.0)
        )
        boxa_area = (ax2 - ax1 + 1.0) * (ay2 - ay1 + 1.0)
        boxb_area = (bx2 - bx1 + 1.0) * (bx2 - by1 + 1.0)
        iou = inter_area / (boxa_area + boxb_area - inter_area)

        val = jnp.where(blk != 248, iou, 0.0)
        plsc.store_scatter(vbuf, [row, j], val)
        return carry

    lax.fori_loop(0, nchunks, chunk, 0)
    pltpu.sync_copy(vbuf, band_hbm.at[pl.ds(tbase, _TROWS), :])


def _tc_strip_kernel(band_ref, o_ref):
    s = pl.program_id(0)

    band = band_ref[...]
    tile = jnp.concatenate([band] * (_T // _NB), axis=1)
    r = jax.lax.broadcasted_iota(jnp.int32, (_T, _T), 0) // _NB
    c = jax.lax.broadcasted_iota(jnp.int32, (_T, _T), 1) // _NB
    tile = jnp.where(r == c, tile, 0.0)

    o_ref[...] = jnp.zeros_like(o_ref)

    @pl.when(s < _G - 1)
    def _full():
        o_ref[:, pl.ds(s * _T, _T)] = tile

    @pl.when(s == _G - 1)
    def _last():
        o_ref[:, pl.ds(s * _T, _N - (_G - 1) * _T)] = tile[:, : _N - (_G - 1) * _T]


def kernel(rois):
    a_tbl = jnp.roll(rois, -1, axis=0).reshape(_N, 4)
    b_tbl = jnp.roll(rois, -2, axis=0).reshape(_N, 4)
    a_tbl = jnp.pad(a_tbl, ((0, _TPAD - _N), (0, 0)))
    b_tbl = jnp.pad(b_tbl, ((0, _TPAD - _N), (0, 0)))

    mesh = plsc.VectorSubcoreMesh(core_axis_name="c", subcore_axis_name="s")
    sc_band = pl.kernel(
        _sc_band_body,
        out_type=jax.ShapeDtypeStruct((_TPAD, _NB), jnp.float32),
        mesh=mesh,
        scratch_types=[
            pltpu.VMEM((_TROWS, 4), jnp.float32),
            pltpu.VMEM((_TROWS, 4), jnp.float32),
            pltpu.VMEM((_TROWS, _NB), jnp.float32),
        ],
        compiler_params=pltpu.CompilerParams(
            use_tc_tiling_on_sc=False, needs_layout_passes=False
        ),
    )
    band = sc_band(a_tbl, b_tbl)

    out = pl.pallas_call(
        _tc_strip_kernel,
        grid=(_G,),
        in_specs=[
            pl.BlockSpec((_T, _NB), lambda s: (s, 0)),
        ],
        out_specs=pl.BlockSpec((_T, _N), lambda s: (s, 0)),
        out_shape=jax.ShapeDtypeStruct((_N, _N), jnp.float32),
    )(band)
    return out.reshape(1, _N, _N)

# --- scband reference (transcript-rebuilt; emitter-appended) ---
"""Pipeline reference for scband-graph-front-83571473645677 (READ-ONLY COPY).

The authoritative reference and input builder live on the scoring server;
editing this copy changes nothing except your own understanding.
"""

import jax, jax.numpy as jnp
import numpy as np

NUM_FRAMES = 250
BOXES_PER_FRAME = 20


def setup_inputs(seed: int = 0) -> dict:
    key = jax.random.key(seed)
    rois = jax.random.uniform(key, (NUM_FRAMES, BOXES_PER_FRAME, 4), dtype=jnp.float32)
    return {"rois": rois}


def reference(rois):
    # Faithful JAX translation of _graphFront.build_graph(rois).
    # rois: float32[num_frames, 20, 4]; original iterates t in [0, num_frames-2],
    # computes pairwise IoU between frame t and frame t+1 boxes, and writes the
    # 20x20 block at offset 20*(t-1) (negative for t=0 -> python negative-index
    # wraparound, reproduced here via modulo indexing).
    num_frames = rois.shape[0]
    nb = rois.shape[1]  # 20
    n = num_frames * nb

    A = rois[:-1]  # boxes of frame t,   (F-1, 20, 4)
    B = rois[1:]   # boxes of frame t+1, (F-1, 20, 4)
    a = A[:, :, None, :]  # (F-1, 20, 1, 4)
    b = B[:, None, :, :]  # (F-1, 1, 20, 4)

    inter_x1 = jnp.maximum(a[..., 0], b[..., 0])
    inter_x2 = jnp.minimum(a[..., 2], b[..., 2])
    inter_y1 = jnp.maximum(a[..., 1], b[..., 1])
    inter_y2 = jnp.minimum(a[..., 3], b[..., 3])
    inter_area = jnp.maximum(inter_x2 - inter_x1, 0.0) * jnp.maximum(inter_y2 - inter_y1, 0.0)
    boxa_area = (a[..., 2] - a[..., 0] + 1.0) * (a[..., 3] - a[..., 1] + 1.0)
    # NOTE: original code has a bug: boxb area uses boxb[2] twice instead of boxb[3].
    # Reproduced faithfully.
    boxb_area = (b[..., 2] - b[..., 0] + 1.0) * (b[..., 2] - b[..., 1] + 1.0)
    iou = inter_area / (boxa_area + boxb_area - inter_area)  # (F-1, 20, 20)

    # Original writes adjacency[20*(t-1)+i][20*(t-1)+j] (same offset for rows
    # and cols). For t=0 the offset is -20 -> wraps to the last 20 rows/cols.
    t = jnp.arange(num_frames - 1)
    offs = nb * (t - 1)
    idx = (offs[:, None] + jnp.arange(nb)[None, :]) % n  # (F-1, 20)

    adjacent_matrix = jnp.zeros((n, n), dtype=rois.dtype)
    adjacent_matrix = adjacent_matrix.at[idx[:, :, None], idx[:, None, :]].set(iou)
    return adjacent_matrix.reshape(1, n, n)

if __name__ == "__main__":
    import jax
    _d = setup_inputs()
    print(jax.jit(kernel)(*tuple(_d.values())))

</pallas_src>

<mosaic_0001>
#map = affine_map<(d0, d1) -> (0, 0)>
module attributes {stable_mosaic.version = 14 : i64} {
  func.func @_sc_band_body(%arg0: i32, %arg1: i32, %arg2: memref<5120x4xf32, #tpu.memory_space<hbm>>, %arg3: memref<5120x4xf32, #tpu.memory_space<hbm>>, %arg4: memref<5120x20xf32, #tpu.memory_space<hbm>>, %arg5: memref<160x4xf32, #tpu.memory_space<vmem>>, %arg6: memref<160x4xf32, #tpu.memory_space<vmem>>, %arg7: memref<160x20xf32, #tpu.memory_space<vmem>>) attributes {dimension_semantics = [#tpu.dimension_semantics<core_parallel>, #tpu.dimension_semantics<subcore_parallel>], iteration_bounds = array<i64: 2, 16>, scalar_prefetch = 0 : i64, scratch_operands = 3 : i64, tpu.core_type = #tpu.core_type<sc_vector_subcore>, window_params = [{transform_indices = #map}, {transform_indices = #map}, {transform_indices = #map}]} {
    %mul3A = arith.constant 2 : i32
    %mul3A_0 = arith.muli %arg1, %mul3A : i32
    %add3A = arith.addi %mul3A_0, %arg0 : i32
    %iota3A = tpu.iota {dimensions = array<i32: 0>} : vector<16xi32>
    %broadcast_in_dim3A = arith.constant 0 : i32
    %broadcast_in_dim3A_1 = vector.broadcast %broadcast_in_dim3A : i32 to vector<16xi32>
    %broadcast_in_dim3A_2 = arith.constant 1 : i32
    %broadcast_in_dim3A_3 = vector.broadcast %broadcast_in_dim3A_2 : i32 to vector<16xi32>
    %broadcast_in_dim3A_4 = arith.constant 2 : i32
    %broadcast_in_dim3A_5 = vector.broadcast %broadcast_in_dim3A_4 : i32 to vector<16xi32>
    %broadcast_in_dim3A_6 = arith.constant 3 : i32
    %broadcast_in_dim3A_7 = vector.broadcast %broadcast_in_dim3A_6 : i32 to vector<16xi32>
    %mul3A_8 = arith.constant 160 : i32
    %mul3A_9 = arith.muli %mul3A_8, %add3A : i32
    "tpu.region"() ({
      %run_scoped3A = tpu.sem_alloc : memref<!tpu.dma_semaphore, #tpu.memory_space<semaphore_mem>>
      %dma_start3A = arith.constant 0 : i32
      %dma_start3A_41 = tpu.memref_slice %arg2[%mul3A_9, %dma_start3A] : memref<5120x4xf32, #tpu.memory_space<hbm>> -> memref<160x4xf32, #tpu.memory_space<hbm>>
      %dma_start3A_42 = arith.constant 0 : i32
      %dma_start3A_43 = tpu.memref_slice %arg2[%mul3A_9, %dma_start3A_42] : memref<5120x4xf32, #tpu.memory_space<hbm>> -> memref<160x4xf32, #tpu.memory_space<hbm>>
      tpu.enqueue_dma source(%dma_start3A_43 : memref<160x4xf32, #tpu.memory_space<hbm>>) target(%arg5 : memref<160x4xf32, #tpu.memory_space<vmem>>) target_semaphore(%run_scoped3A : memref<!tpu.dma_semaphore, #tpu.memory_space<semaphore_mem>>)
      %dma_wait3A = arith.constant 0 : i32
      %dma_wait3A_44 = tpu.memref_slice %arg2[%mul3A_9, %dma_wait3A] : memref<5120x4xf32, #tpu.memory_space<hbm>> -> memref<160x4xf32, #tpu.memory_space<hbm>>
      %dma_wait3A_45 = arith.constant 0 : i32
      %dma_wait3A_46 = tpu.memref_slice %arg2[%mul3A_9, %dma_wait3A_45] : memref<5120x4xf32, #tpu.memory_space<hbm>> -> memref<160x4xf32, #tpu.memory_space<hbm>>
      tpu.wait_dma2 semaphore(%run_scoped3A : memref<!tpu.dma_semaphore, #tpu.memory_space<semaphore_mem>>) src(%dma_wait3A_46 : memref<160x4xf32, #tpu.memory_space<hbm>>) dst(%arg5 : memref<160x4xf32, #tpu.memory_space<vmem>>)
      tpu.yield
    }) : () -> ()
    "tpu.region"() ({
      %run_scoped3A = tpu.sem_alloc : memref<!tpu.dma_semaphore, #tpu.memory_space<semaphore_mem>>
      %dma_start3A = arith.constant 0 : i32
      %dma_start3A_41 = tpu.memref_slice %arg3[%mul3A_9, %dma_start3A] : memref<5120x4xf32, #tpu.memory_space<hbm>> -> memref<160x4xf32, #tpu.memory_space<hbm>>
      %dma_start3A_42 = arith.constant 0 : i32
      %dma_start3A_43 = tpu.memref_slice %arg3[%mul3A_9, %dma_start3A_42] : memref<5120x4xf32, #tpu.memory_space<hbm>> -> memref<160x4xf32, #tpu.memory_space<hbm>>
      tpu.enqueue_dma source(%dma_start3A_43 : memref<160x4xf32, #tpu.memory_space<hbm>>) target(%arg6 : memref<160x4xf32, #tpu.memory_space<vmem>>) target_semaphore(%run_scoped3A : memref<!tpu.dma_semaphore, #tpu.memory_space<semaphore_mem>>)
      %dma_wait3A = arith.constant 0 : i32
      %dma_wait3A_44 = tpu.memref_slice %arg3[%mul3A_9, %dma_wait3A] : memref<5120x4xf32, #tpu.memory_space<hbm>> -> memref<160x4xf32, #tpu.memory_space<hbm>>
      %dma_wait3A_45 = arith.constant 0 : i32
      %dma_wait3A_46 = tpu.memref_slice %arg3[%mul3A_9, %dma_wait3A_45] : memref<5120x4xf32, #tpu.memory_space<hbm>> -> memref<160x4xf32, #tpu.memory_space<hbm>>
      tpu.wait_dma2 semaphore(%run_scoped3A : memref<!tpu.dma_semaphore, #tpu.memory_space<semaphore_mem>>) src(%dma_wait3A_46 : memref<160x4xf32, #tpu.memory_space<hbm>>) dst(%arg6 : memref<160x4xf32, #tpu.memory_space<vmem>>)
      tpu.yield
    }) : () -> ()
    %sub3A = arith.constant 5000 : i32
    %sub3A_10 = arith.subi %sub3A, %mul3A_9 : i32
    %jit3A = arith.constant 0 : i32
    %jit3A_11 = arith.constant 160 : i32
    %max3A = arith.maxsi %jit3A, %sub3A_10 : i32
    %min3A = arith.minsi %jit3A_11, %max3A : i32
    %mul3A_12 = arith.constant 20 : i32
    %mul3A_13 = arith.muli %min3A, %mul3A_12 : i32
    %jit3A_14 = arith.constant 16 : i32
    %div3A = arith.divsi %mul3A_13, %jit3A_14 : i32
    %sign3A = arith.constant 0 : i32
    %sign3A_15 = arith.cmpi sgt, %mul3A_13, %sign3A : i32
    %sign3A_16 = arith.extui %sign3A_15 : i1 to i32
    %sign3A_17 = arith.constant 0 : i32
    %sign3A_18 = arith.cmpi slt, %mul3A_13, %sign3A_17 : i32
    %sign3A_19 = arith.extui %sign3A_18 : i1 to i32
    %sign3A_20 = arith.subi %sign3A_16, %sign3A_19 : i32
    %sign3A_21 = arith.constant 0 : i32
    %sign3A_22 = arith.cmpi sgt, %jit3A_14, %sign3A_21 : i32
    %sign3A_23 = arith.extui %sign3A_22 : i1 to i32
    %sign3A_24 = arith.constant 0 : i32
    %sign3A_25 = arith.cmpi slt, %jit3A_14, %sign3A_24 : i32
    %sign3A_26 = arith.extui %sign3A_25 : i1 to i32
    %sign3A_27 = arith.subi %sign3A_23, %sign3A_26 : i32
    %ne3A = arith.cmpi ne, %sign3A_20, %sign3A_27 : i32
    %rem3A = arith.remsi %mul3A_13, %jit3A_14 : i32
    %ne3A_28 = arith.constant 0 : i32
    %ne3A_29 = arith.cmpi ne, %rem3A, %ne3A_28 : i32
    %and3A = arith.andi %ne3A, %ne3A_29 : i1
    %sub3A_30 = arith.constant 1 : i32
    %sub3A_31 = arith.subi %div3A, %sub3A_30 : i32
    %select_n3A = arith.select %and3A, %sub3A_31, %div3A : i32
    %while3A = arith.constant 0 : i32
    %while3A_32 = arith.constant 0 : i32
    %while3A_33 = arith.subi %select_n3A, %while3A_32 : i32
    %while3A_34 = arith.addi %while3A_32, %while3A_33 : i32
    %while3A_35 = arith.constant 1 : i32
    %while3A_36 = arith.divsi %while3A_33, %while3A_35 : i32
    %while3A_37 = arith.muli %while3A_36, %while3A_35 : i32
    %while3A_38 = arith.addi %while3A_32, %while3A_37 : i32
    %while3A_39 = arith.constant 1 : i32
    scf.for %while3A_41 = %while3A_32 to %while3A_38 step %while3A_39  : i32 {
      %mul3A_42 = arith.constant 16 : i32
      %mul3A_43 = arith.muli %mul3A_42, %while3A_41 : i32
      %add3A_44 = vector.broadcast %mul3A_43 : i32 to vector<16xi32>
      %add3A_45 = arith.addi %add3A_44, %iota3A : vector<16xi32>
      %jit3A_46 = arith.constant 20 : i32
      %div3A_47 = vector.broadcast %jit3A_46 : i32 to vector<16xi32>
      %div3A_48 = arith.divsi %add3A_45, %div3A_47 : vector<16xi32>
      %sign3A_49 = arith.constant 0 : i32
      %sign3A_50 = vector.broadcast %sign3A_49 : i32 to vector<16xi32>
      %sign3A_51 = arith.cmpi sgt, %add3A_45, %sign3A_50 : vector<16xi32>
      %sign3A_52 = arith.extui %sign3A_51 : vector<16xi1> to vector<16xi32>
      %sign3A_53 = arith.constant 0 : i32
      %sign3A_54 = vector.broadcast %sign3A_53 : i32 to vector<16xi32>
      %sign3A_55 = arith.cmpi slt, %add3A_45, %sign3A_54 : vector<16xi32>
      %sign3A_56 = arith.extui %sign3A_55 : vector<16xi1> to vector<16xi32>
      %sign3A_57 = arith.subi %sign3A_52, %sign3A_56 : vector<16xi32>
      %sign3A_58 = arith.constant 0 : i32
      %sign3A_59 = arith.cmpi sgt, %jit3A_46, %sign3A_58 : i32
      %sign3A_60 = arith.extui %sign3A_59 : i1 to i32
      %sign3A_61 = arith.constant 0 : i32
      %sign3A_62 = arith.cmpi slt, %jit3A_46, %sign3A_61 : i32
      %sign3A_63 = arith.extui %sign3A_62 : i1 to i32
      %sign3A_64 = arith.subi %sign3A_60, %sign3A_63 : i32
      %ne3A_65 = vector.broadcast %sign3A_64 : i32 to vector<16xi32>
      %ne3A_66 = arith.cmpi ne, %sign3A_57, %ne3A_65 : vector<16xi32>
      %rem3A_67 = vector.broadcast %jit3A_46 : i32 to vector<16xi32>
      %rem3A_68 = arith.remsi %add3A_45, %rem3A_67 : vector<16xi32>
      %ne3A_69 = arith.constant 0 : i32
      %ne3A_70 = vector.broadcast %ne3A_69 : i32 to vector<16xi32>
      %ne3A_71 = arith.cmpi ne, %rem3A_68, %ne3A_70 : vector<16xi32>
      %and3A_72 = arith.andi %ne3A_66, %ne3A_71 : vector<16xi1>
      %sub3A_73 = arith.constant 1 : i32
      %sub3A_74 = vector.broadcast %sub3A_73 : i32 to vector<16xi32>
      %sub3A_75 = arith.subi %div3A_48, %sub3A_74 : vector<16xi32>
      %select_n3A_76 = arith.select %and3A_72, %sub3A_75, %div3A_48 : vector<16xi1>, vector<16xi32>
      %jit3A_77 = arith.constant 20 : i32
      %eq3A = arith.constant 0 : i32
      %eq3A_78 = arith.cmpi eq, %jit3A_77, %eq3A : i32
      %jit3A_79 = arith.constant 1 : i32
      %select_n3A_80 = arith.select %eq3A_78, %jit3A_79, %jit3A_77 : i32
      %rem3A_81 = vector.broadcast %select_n3A_80 : i32 to vector<16xi32>
      %rem3A_82 = arith.remsi %add3A_45, %rem3A_81 : vector<16xi32>
      %ne3A_83 = arith.constant 0 : i32
      %ne3A_84 = vector.broadcast %ne3A_83 : i32 to vector<16xi32>
      %ne3A_85 = arith.cmpi ne, %rem3A_82, %ne3A_84 : vector<16xi32>
      %lt3A = arith.constant 0 : i32
      %lt3A_86 = vector.broadcast %lt3A : i32 to vector<16xi32>
      %lt3A_87 = arith.cmpi slt, %rem3A_82, %lt3A_86 : vector<16xi32>
      %lt3A_88 = arith.constant 0 : i32
      %lt3A_89 = arith.cmpi slt, %select_n3A_80, %lt3A_88 : i32
      %ne3A_90 = vector.broadcast %lt3A_89 : i1 to vector<16xi1>
      %ne3A_91 = vector.broadcast %ne3A_90 : vector<16xi1> to vector<16xi1>
      %ne3A_92 = arith.xori %lt3A_87, %ne3A_91 : vector<16xi1>
      %and3A_93 = arith.andi %ne3A_92, %ne3A_85 : vector<16xi1>
      %add3A_94 = vector.broadcast %select_n3A_80 : i32 to vector<16xi32>
      %add3A_95 = arith.addi %rem3A_82, %add3A_94 : vector<16xi32>
      %select_n3A_96 = arith.select %and3A_93, %add3A_95, %rem3A_82 : vector<16xi1>, vector<16xi32>
      %jit3A_97 = arith.constant 20 : i32
      %div3A_98 = arith.divsi %mul3A_9, %jit3A_97 : i32
      %sign3A_99 = arith.constant 0 : i32
      %sign3A_100 = arith.cmpi sgt, %mul3A_9, %sign3A_99 : i32
      %sign3A_101 = arith.extui %sign3A_100 : i1 to i32
      %sign3A_102 = arith.constant 0 : i32
      %sign3A_103 = arith.cmpi slt, %mul3A_9, %sign3A_102 : i32
      %sign3A_104 = arith.extui %sign3A_103 : i1 to i32
      %sign3A_105 = arith.subi %sign3A_101, %sign3A_104 : i32
      %sign3A_106 = arith.constant 0 : i32
      %sign3A_107 = arith.cmpi sgt, %jit3A_97, %sign3A_106 : i32
      %sign3A_108 = arith.extui %sign3A_107 : i1 to i32
      %sign3A_109 = arith.constant 0 : i32
      %sign3A_110 = arith.cmpi slt, %jit3A_97, %sign3A_109 : i32
      %sign3A_111 = arith.extui %sign3A_110 : i1 to i32
      %sign3A_112 = arith.subi %sign3A_108, %sign3A_111 : i32
      %ne3A_113 = arith.cmpi ne, %sign3A_105, %sign3A_112 : i32
      %rem3A_114 = arith.remsi %mul3A_9, %jit3A_97 : i32
      %ne3A_115 = arith.constant 0 : i32
      %ne3A_116 = arith.cmpi ne, %rem3A_114, %ne3A_115 : i32
      %and3A_117 = arith.andi %ne3A_113, %ne3A_116 : i1
      %sub3A_118 = arith.constant 1 : i32
      %sub3A_119 = arith.subi %div3A_98, %sub3A_118 : i32
      %select_n3A_120 = arith.select %and3A_117, %sub3A_119, %div3A_98 : i32
      %jit3A_121 = arith.constant 20 : i32
      %div3A_122 = vector.broadcast %jit3A_121 : i32 to vector<16xi32>
      %div3A_123 = arith.divsi %select_n3A_76, %div3A_122 : vector<16xi32>
      %sign3A_124 = arith.constant 0 : i32
      %sign3A_125 = vector.broadcast %sign3A_124 : i32 to vector<16xi32>
      %sign3A_126 = arith.cmpi sgt, %select_n3A_76, %sign3A_125 : vector<16xi32>
      %sign3A_127 = arith.extui %sign3A_126 : vector<16xi1> to vector<16xi32>
      %sign3A_128 = arith.constant 0 : i32
      %sign3A_129 = vector.broadcast %sign3A_128 : i32 to vector<16xi32>
      %sign3A_130 = arith.cmpi slt, %select_n3A_76, %sign3A_129 : vector<16xi32>
      %sign3A_131 = arith.extui %sign3A_130 : vector<16xi1> to vector<16xi32>
      %sign3A_132 = arith.subi %sign3A_127, %sign3A_131 : vector<16xi32>
      %sign3A_133 = arith.constant 0 : i32
      %sign3A_134 = arith.cmpi sgt, %jit3A_121, %sign3A_133 : i32
      %sign3A_135 = arith.extui %sign3A_134 : i1 to i32
      %sign3A_136 = arith.constant 0 : i32
      %sign3A_137 = arith.cmpi slt, %jit3A_121, %sign3A_136 : i32
      %sign3A_138 = arith.extui %sign3A_137 : i1 to i32
      %sign3A_139 = arith.subi %sign3A_135, %sign3A_138 : i32
      %ne3A_140 = vector.broadcast %sign3A_139 : i32 to vector<16xi32>
      %ne3A_141 = arith.cmpi ne, %sign3A_132, %ne3A_140 : vector<16xi32>
      %rem3A_142 = vector.broadcast %jit3A_121 : i32 to vector<16xi32>
      %rem3A_143 = arith.remsi %select_n3A_76, %rem3A_142 : vector<16xi32>
      %ne3A_144 = arith.constant 0 : i32
      %ne3A_145 = vector.broadcast %ne3A_144 : i32 to vector<16xi32>
      %ne3A_146 = arith.cmpi ne, %rem3A_143, %ne3A_145 : vector<16xi32>
      %and3A_147 = arith.andi %ne3A_141, %ne3A_146 : vector<16xi1>
      %sub3A_148 = arith.constant 1 : i32
      %sub3A_149 = vector.broadcast %sub3A_148 : i32 to vector<16xi32>
      %sub3A_150 = arith.subi %div3A_123, %sub3A_149 : vector<16xi32>
      %select_n3A_151 = arith.select %and3A_147, %sub3A_150, %div3A_123 : vector<16xi1>, vector<16xi32>
      %add3A_152 = vector.broadcast %select_n3A_120 : i32 to vector<16xi32>
      %add3A_153 = arith.addi %add3A_152, %select_n3A_151 : vector<16xi32>
      %jit3A_154 = arith.constant 20 : i32
      %div3A_155 = vector.broadcast %jit3A_154 : i32 to vector<16xi32>
      %div3A_156 = arith.divsi %select_n3A_76, %div3A_155 : vector<16xi32>
      %sign3A_157 = arith.constant 0 : i32
      %sign3A_158 = vector.broadcast %sign3A_157 : i32 to vector<16xi32>
      %sign3A_159 = arith.cmpi sgt, %select_n3A_76, %sign3A_158 : vector<16xi32>
      %sign3A_160 = arith.extui %sign3A_159 : vector<16xi1> to vector<16xi32>
      %sign3A_161 = arith.constant 0 : i32
      %sign3A_162 = vector.broadcast %sign3A_161 : i32 to vector<16xi32>
      %sign3A_163 = arith.cmpi slt, %select_n3A_76, %sign3A_162 : vector<16xi32>
      %sign3A_164 = arith.extui %sign3A_163 : vector<16xi1> to vector<16xi32>
      %sign3A_165 = arith.subi %sign3A_160, %sign3A_164 : vector<16xi32>
      %sign3A_166 = arith.constant 0 : i32
      %sign3A_167 = arith.cmpi sgt, %jit3A_154, %sign3A_166 : i32
      %sign3A_168 = arith.extui %sign3A_167 : i1 to i32
      %sign3A_169 = arith.constant 0 : i32
      %sign3A_170 = arith.cmpi slt, %jit3A_154, %sign3A_169 : i32
      %sign3A_171 = arith.extui %sign3A_170 : i1 to i32
      %sign3A_172 = arith.subi %sign3A_168, %sign3A_171 : i32
      %ne3A_173 = vector.broadcast %sign3A_172 : i32 to vector<16xi32>
      %ne3A_174 = arith.cmpi ne, %sign3A_165, %ne3A_173 : vector<16xi32>
      %rem3A_175 = vector.broadcast %jit3A_154 : i32 to vector<16xi32>
      %rem3A_176 = arith.remsi %select_n3A_76, %rem3A_175 : vector<16xi32>
      %ne3A_177 = arith.constant 0 : i32
      %ne3A_178 = vector.broadcast %ne3A_177 : i32 to vector<16xi32>
      %ne3A_179 = arith.cmpi ne, %rem3A_176, %ne3A_178 : vector<16xi32>
      %and3A_180 = arith.andi %ne3A_174, %ne3A_179 : vector<16xi1>
      %sub3A_181 = arith.constant 1 : i32
      %sub3A_182 = vector.broadcast %sub3A_181 : i32 to vector<16xi32>
      %sub3A_183 = arith.subi %div3A_156, %sub3A_182 : vector<16xi32>
      %select_n3A_184 = arith.select %and3A_180, %sub3A_183, %div3A_156 : vector<16xi1>, vector<16xi32>
      %mul3A_185 = arith.constant 20 : i32
      %mul3A_186 = vector.broadcast %mul3A_185 : i32 to vector<16xi32>
      %mul3A_187 = arith.muli %select_n3A_184, %mul3A_186 : vector<16xi32>
      %add3A_188 = arith.addi %mul3A_187, %select_n3A_96 : vector<16xi32>
      %gather3A = tpu.vector_load_idx %arg5[%select_n3A_76, %broadcast_in_dim3A_1] : memref<160x4xf32, #tpu.memory_space<vmem>>[vector<16xi32>, vector<16xi32>], vector<16xf32>,
      %gather3A_189 = tpu.vector_load_idx %arg5[%select_n3A_76, %broadcast_in_dim3A_3] : memref<160x4xf32, #tpu.memory_space<vmem>>[vector<16xi32>, vector<16xi32>], vector<16xf32>,
      %gather3A_190 = tpu.vector_load_idx %arg5[%select_n3A_76, %broadcast_in_dim3A_5] : memref<160x4xf32, #tpu.memory_space<vmem>>[vector<16xi32>, vector<16xi32>], vector<16xf32>,
      %gather3A_191 = tpu.vector_load_idx %arg5[%select_n3A_76, %broadcast_in_dim3A_7] : memref<160x4xf32, #tpu.memory_space<vmem>>[vector<16xi32>, vector<16xi32>], vector<16xf32>,
      %gather3A_192 = tpu.vector_load_idx %arg6[%add3A_188, %broadcast_in_dim3A_1] : memref<160x4xf32, #tpu.memory_space<vmem>>[vector<16xi32>, vector<16xi32>], vector<16xf32>,
      %gather3A_193 = tpu.vector_load_idx %arg6[%add3A_188, %broadcast_in_dim3A_3] : memref<160x4xf32, #tpu.memory_space<vmem>>[vector<16xi32>, vector<16xi32>], vector<16xf32>,
      %gather3A_194 = tpu.vector_load_idx %arg6[%add3A_188, %broadcast_in_dim3A_5] : memref<160x4xf32, #tpu.memory_space<vmem>>[vector<16xi32>, vector<16xi32>], vector<16xf32>,
      %gather3A_195 = tpu.vector_load_idx %arg6[%add3A_188, %broadcast_in_dim3A_7] : memref<160x4xf32, #tpu.memory_space<vmem>>[vector<16xi32>, vector<16xi32>], vector<16xf32>,
      %max3A_196 = arith.maximumf %gather3A, %gather3A_192 : vector<16xf32>
      %min3A_197 = arith.minimumf %gather3A_190, %gather3A_194 : vector<16xf32>
      %max3A_198 = arith.maximumf %gather3A_189, %gather3A_193 : vector<16xf32>
      %min3A_199 = arith.minimumf %gather3A_191, %gather3A_195 : vector<16xf32>
      %sub3A_200 = arith.subf %min3A_197, %max3A_196 : vector<16xf32>
      %max3A_201 = arith.constant 0.000000e+00 : f32
      %max3A_202 = vector.broadcast %max3A_201 : f32 to vector<16xf32>
      %max3A_203 = arith.maximumf %sub3A_200, %max3A_202 : vector<16xf32>
      %sub3A_204 = arith.subf %min3A_199, %max3A_198 : vector<16xf32>
      %max3A_205 = arith.constant 0.000000e+00 : f32
      %max3A_206 = vector.broadcast %max3A_205 : f32 to vector<16xf32>
      %max3A_207 = arith.maximumf %sub3A_204, %max3A_206 : vector<16xf32>
      %mul3A_208 = arith.mulf %max3A_203, %max3A_207 : vector<16xf32>
      %sub3A_209 = arith.subf %gather3A_190, %gather3A : vector<16xf32>
      %add3A_210 = arith.constant 1.000000e+00 : f32
      %add3A_211 = vector.broadcast %add3A_210 : f32 to vector<16xf32>
      %add3A_212 = arith.addf %sub3A_209, %add3A_211 : vector<16xf32>
      %sub3A_213 = arith.subf %gather3A_191, %gather3A_189 : vector<16xf32>
      %add3A_214 = arith.constant 1.000000e+00 : f32
      %add3A_215 = vector.broadcast %add3A_214 : f32 to vector<16xf32>
      %add3A_216 = arith.addf %sub3A_213, %add3A_215 : vector<16xf32>
      %mul3A_217 = arith.mulf %add3A_212, %add3A_216 : vector<16xf32>
      %sub3A_218 = arith.subf %gather3A_194, %gather3A_192 : vector<16xf32>
      %add3A_219 = arith.constant 1.000000e+00 : f32
      %add3A_220 = vector.broadcast %add3A_219 : f32 to vector<16xf32>
      %add3A_221 = arith.addf %sub3A_218, %add3A_220 : vector<16xf32>
      %sub3A_222 = arith.subf %gather3A_194, %gather3A_193 : vector<16xf32>
      %add3A_223 = arith.constant 1.000000e+00 : f32
      %add3A_224 = vector.broadcast %add3A_223 : f32 to vector<16xf32>
      %add3A_225 = arith.addf %sub3A_222, %add3A_224 : vector<16xf32>
      %mul3A_226 = arith.mulf %add3A_221, %add3A_225 : vector<16xf32>
      %add3A_227 = arith.addf %mul3A_217, %mul3A_226 : vector<16xf32>
      %sub3A_228 = arith.subf %add3A_227, %mul3A_208 : vector<16xf32>
      %div3A_229 = arith.divf %mul3A_208, %sub3A_228 : vector<16xf32>
      %ne3A_230 = arith.constant 248 : i32
      %ne3A_231 = vector.broadcast %ne3A_230 : i32 to vector<16xi32>
      %ne3A_232 = arith.cmpi ne, %add3A_153, %ne3A_231 : vector<16xi32>
      %jit3A_233 = arith.constant 0.000000e+00 : f32
      %broadcast_in_dim3A_234 = vector.broadcast %jit3A_233 : f32 to vector<16xf32>
      %select_n3A_235 = arith.select %ne3A_232, %div3A_229, %broadcast_in_dim3A_234 : vector<16xi1>, vector<16xf32>
      tpu.vector_store_idx %arg7[%select_n3A_76, %select_n3A_96], %select_n3A_235 : memref<160x20xf32, #tpu.memory_space<vmem>>[vector<16xi32>, vector<16xi32>], vector<16xf32>,
    }
    %while3A_40 = arith.constant 1 : i32
    scf.for %while3A_41 = %while3A_38 to %while3A_34 step %while3A_40  : i32 {
      %mul3A_42 = arith.constant 16 : i32
      %mul3A_43 = arith.muli %mul3A_42, %while3A_41 : i32
      %add3A_44 = vector.broadcast %mul3A_43 : i32 to vector<16xi32>
      %add3A_45 = arith.addi %add3A_44, %iota3A : vector<16xi32>
      %jit3A_46 = arith.constant 20 : i32
      %div3A_47 = vector.broadcast %jit3A_46 : i32 to vector<16xi32>
      %div3A_48 = arith.divsi %add3A_45, %div3A_47 : vector<16xi32>
      %sign3A_49 = arith.constant 0 : i32
      %sign3A_50 = vector.broadcast %sign3A_49 : i32 to vector<16xi32>
      %sign3A_51 = arith.cmpi sgt, %add3A_45, %sign3A_50 : vector<16xi32>
      %sign3A_52 = arith.extui %sign3A_51 : vector<16xi1> to vector<16xi32>
      %sign3A_53 = arith.constant 0 : i32
      %sign3A_54 = vector.broadcast %sign3A_53 : i32 to vector<16xi32>
      %sign3A_55 = arith.cmpi slt, %add3A_45, %sign3A_54 : vector<16xi32>
      %sign3A_56 = arith.extui %sign3A_55 : vector<16xi1> to vector<16xi32>
      %sign3A_57 = arith.subi %sign3A_52, %sign3A_56 : vector<16xi32>
      %sign3A_58 = arith.constant 0 : i32
      %sign3A_59 = arith.cmpi sgt, %jit3A_46, %sign3A_58 : i32
      %sign3A_60 = arith.extui %sign3A_59 : i1 to i32
      %sign3A_61 = arith.constant 0 : i32
      %sign3A_62 = arith.cmpi slt, %jit3A_46, %sign3A_61 : i32
      %sign3A_63 = arith.extui %sign3A_62 : i1 to i32
      %sign3A_64 = arith.subi %sign3A_60, %sign3A_63 : i32
      %ne3A_65 = vector.broadcast %sign3A_64 : i32 to vector<16xi32>
      %ne3A_66 = arith.cmpi ne, %sign3A_57, %ne3A_65 : vector<16xi32>
      %rem3A_67 = vector.broadcast %jit3A_46 : i32 to vector<16xi32>
      %rem3A_68 = arith.remsi %add3A_45, %rem3A_67 : vector<16xi32>
      %ne3A_69 = arith.constant 0 : i32
      %ne3A_70 = vector.broadcast %ne3A_69 : i32 to vector<16xi32>
      %ne3A_71 = arith.cmpi ne, %rem3A_68, %ne3A_70 : vector<16xi32>
      %and3A_72 = arith.andi %ne3A_66, %ne3A_71 : vector<16xi1>
      %sub3A_73 = arith.constant 1 : i32
      %sub3A_74 = vector.broadcast %sub3A_73 : i32 to vector<16xi32>
      %sub3A_75 = arith.subi %div3A_48, %sub3A_74 : vector<16xi32>
      %select_n3A_76 = arith.select %and3A_72, %sub3A_75, %div3A_48 : vector<16xi1>, vector<16xi32>
      %jit3A_77 = arith.constant 20 : i32
      %eq3A = arith.constant 0 : i32
      %eq3A_78 = arith.cmpi eq, %jit3A_77, %eq3A : i32
      %jit3A_79 = arith.constant 1 : i32
      %select_n3A_80 = arith.select %eq3A_78, %jit3A_79, %jit3A_77 : i32
      %rem3A_81 = vector.broadcast %select_n3A_80 : i32 to vector<16xi32>
      %rem3A_82 = arith.remsi %add3A_45, %rem3A_81 : vector<16xi32>
      %ne3A_83 = arith.constant 0 : i32
      %ne3A_84 = vector.broadcast %ne3A_83 : i32 to vector<16xi32>
      %ne3A_85 = arith.cmpi ne, %rem3A_82, %ne3A_84 : vector<16xi32>
      %lt3A = arith.constant 0 : i32
      %lt3A_86 = vector.broadcast %lt3A : i32 to vector<16xi32>
      %lt3A_87 = arith.cmpi slt, %rem3A_82, %lt3A_86 : vector<16xi32>
      %lt3A_88 = arith.constant 0 : i32
      %lt3A_89 = arith.cmpi slt, %select_n3A_80, %lt3A_88 : i32
      %ne3A_90 = vector.broadcast %lt3A_89 : i1 to vector<16xi1>
      %ne3A_91 = vector.broadcast %ne3A_90 : vector<16xi1> to vector<16xi1>
      %ne3A_92 = arith.xori %lt3A_87, %ne3A_91 : vector<16xi1>
      %and3A_93 = arith.andi %ne3A_92, %ne3A_85 : vector<16xi1>
      %add3A_94 = vector.broadcast %select_n3A_80 : i32 to vector<16xi32>
      %add3A_95 = arith.addi %rem3A_82, %add3A_94 : vector<16xi32>
      %select_n3A_96 = arith.select %and3A_93, %add3A_95, %rem3A_82 : vector<16xi1>, vector<16xi32>
      %jit3A_97 = arith.constant 20 : i32
      %div3A_98 = arith.divsi %mul3A_9, %jit3A_97 : i32
      %sign3A_99 = arith.constant 0 : i32
      %sign3A_100 = arith.cmpi sgt, %mul3A_9, %sign3A_99 : i32
      %sign3A_101 = arith.extui %sign3A_100 : i1 to i32
      %sign3A_102 = arith.constant 0 : i32
      %sign3A_103 = arith.cmpi slt, %mul3A_9, %sign3A_102 : i32
      %sign3A_104 = arith.extui %sign3A_103 : i1 to i32
      %sign3A_105 = arith.subi %sign3A_101, %sign3A_104 : i32
      %sign3A_106 = arith.constant 0 : i32
      %sign3A_107 = arith.cmpi sgt, %jit3A_97, %sign3A_106 : i32
      %sign3A_108 = arith.extui %sign3A_107 : i1 to i32
      %sign3A_109 = arith.constant 0 : i32
      %sign3A_110 = arith.cmpi slt, %jit3A_97, %sign3A_109 : i32
      %sign3A_111 = arith.extui %sign3A_110 : i1 to i32
      %sign3A_112 = arith.subi %sign3A_108, %sign3A_111 : i32
      %ne3A_113 = arith.cmpi ne, %sign3A_105, %sign3A_112 : i32
      %rem3A_114 = arith.remsi %mul3A_9, %jit3A_97 : i32
      %ne3A_115 = arith.constant 0 : i32
      %ne3A_116 = arith.cmpi ne, %rem3A_114, %ne3A_115 : i32
      %and3A_117 = arith.andi %ne3A_113, %ne3A_116 : i1
      %sub3A_118 = arith.constant 1 : i32
      %sub3A_119 = arith.subi %div3A_98, %sub3A_118 : i32
      %select_n3A_120 = arith.select %and3A_117, %sub3A_119, %div3A_98 : i32
      %jit3A_121 = arith.constant 20 : i32
      %div3A_122 = vector.broadcast %jit3A_121 : i32 to vector<16xi32>
      %div3A_123 = arith.divsi %select_n3A_76, %div3A_122 : vector<16xi32>
      %sign3A_124 = arith.constant 0 : i32
      %sign3A_125 = vector.broadcast %sign3A_124 : i32 to vector<16xi32>
      %sign3A_126 = arith.cmpi sgt, %select_n3A_76, %sign3A_125 : vector<16xi32>
      %sign3A_127 = arith.extui %sign3A_126 : vector<16xi1> to vector<16xi32>
      %sign3A_128 = arith.constant 0 : i32
      %sign3A_129 = vector.broadcast %sign3A_128 : i32 to vector<16xi32>
      %sign3A_130 = arith.cmpi slt, %select_n3A_76, %sign3A_129 : vector<16xi32>
      %sign3A_131 = arith.extui %sign3A_130 : vector<16xi1> to vector<16xi32>
      %sign3A_132 = arith.subi %sign3A_127, %sign3A_131 : vector<16xi32>
      %sign3A_133 = arith.constant 0 : i32
      %sign3A_134 = arith.cmpi sgt, %jit3A_121, %sign3A_133 : i32
      %sign3A_135 = arith.extui %sign3A_134 : i1 to i32
      %sign3A_136 = arith.constant 0 : i32
      %sign3A_137 = arith.cmpi slt, %jit3A_121, %sign3A_136 : i32
      %sign3A_138 = arith.extui %sign3A_137 : i1 to i32
      %sign3A_139 = arith.subi %sign3A_135, %sign3A_138 : i32
      %ne3A_140 = vector.broadcast %sign3A_139 : i32 to vector<16xi32>
      %ne3A_141 = arith.cmpi ne, %sign3A_132, %ne3A_140 : vector<16xi32>
      %rem3A_142 = vector.broadcast %jit3A_121 : i32 to vector<16xi32>
      %rem3A_143 = arith.remsi %select_n3A_76, %rem3A_142 : vector<16xi32>
      %ne3A_144 = arith.constant 0 : i32
      %ne3A_145 = vector.broadcast %ne3A_144 : i32 to vector<16xi32>
      %ne3A_146 = arith.cmpi ne, %rem3A_143, %ne3A_145 : vector<16xi32>
      %and3A_147 = arith.andi %ne3A_141, %ne3A_146 : vector<16xi1>
      %sub3A_148 = arith.constant 1 : i32
      %sub3A_149 = vector.broadcast %sub3A_148 : i32 to vector<16xi32>
      %sub3A_150 = arith.subi %div3A_123, %sub3A_149 : vector<16xi32>
      %select_n3A_151 = arith.select %and3A_147, %sub3A_150, %div3A_123 : vector<16xi1>, vector<16xi32>
      %add3A_152 = vector.broadcast %select_n3A_120 : i32 to vector<16xi32>
      %add3A_153 = arith.addi %add3A_152, %select_n3A_151 : vector<16xi32>
      %jit3A_154 = arith.constant 20 : i32
      %div3A_155 = vector.broadcast %jit3A_154 : i32 to vector<16xi32>
      %div3A_156 = arith.divsi %select_n3A_76, %div3A_155 : vector<16xi32>
      %sign3A_157 = arith.constant 0 : i32
      %sign3A_158 = vector.broadcast %sign3A_157 : i32 to vector<16xi32>
      %sign3A_159 = arith.cmpi sgt, %select_n3A_76, %sign3A_158 : vector<16xi32>
      %sign3A_160 = arith.extui %sign3A_159 : vector<16xi1> to vector<16xi32>
      %sign3A_161 = arith.constant 0 : i32
      %sign3A_162 = vector.broadcast %sign3A_161 : i32 to vector<16xi32>
      %sign3A_163 = arith.cmpi slt, %select_n3A_76, %sign3A_162 : vector<16xi32>
      %sign3A_164 = arith.extui %sign3A_163 : vector<16xi1> to vector<16xi32>
      %sign3A_165 = arith.subi %sign3A_160, %sign3A_164 : vector<16xi32>
      %sign3A_166 = arith.constant 0 : i32
      %sign3A_167 = arith.cmpi sgt, %jit3A_154, %sign3A_166 : i32
      %sign3A_168 = arith.extui %sign3A_167 : i1 to i32
      %sign3A_169 = arith.constant 0 : i32
      %sign3A_170 = arith.cmpi slt, %jit3A_154, %sign3A_169 : i32
      %sign3A_171 = arith.extui %sign3A_170 : i1 to i32
      %sign3A_172 = arith.subi %sign3A_168, %sign3A_171 : i32
      %ne3A_173 = vector.broadcast %sign3A_172 : i32 to vector<16xi32>
      %ne3A_174 = arith.cmpi ne, %sign3A_165, %ne3A_173 : vector<16xi32>
      %rem3A_175 = vector.broadcast %jit3A_154 : i32 to vector<16xi32>
      %rem3A_176 = arith.remsi %select_n3A_76, %rem3A_175 : vector<16xi32>
      %ne3A_177 = arith.constant 0 : i32
      %ne3A_178 = vector.broadcast %ne3A_177 : i32 to vector<16xi32>
      %ne3A_179 = arith.cmpi ne, %rem3A_176, %ne3A_178 : vector<16xi32>
      %and3A_180 = arith.andi %ne3A_174, %ne3A_179 : vector<16xi1>
      %sub3A_181 = arith.constant 1 : i32
      %sub3A_182 = vector.broadcast %sub3A_181 : i32 to vector<16xi32>
      %sub3A_183 = arith.subi %div3A_156, %sub3A_182 : vector<16xi32>
      %select_n3A_184 = arith.select %and3A_180, %sub3A_183, %div3A_156 : vector<16xi1>, vector<16xi32>
      %mul3A_185 = arith.constant 20 : i32
      %mul3A_186 = vector.broadcast %mul3A_185 : i32 to vector<16xi32>
      %mul3A_187 = arith.muli %select_n3A_184, %mul3A_186 : vector<16xi32>
      %add3A_188 = arith.addi %mul3A_187, %select_n3A_96 : vector<16xi32>
      %gather3A = tpu.vector_load_idx %arg5[%select_n3A_76, %broadcast_in_dim3A_1] : memref<160x4xf32, #tpu.memory_space<vmem>>[vector<16xi32>, vector<16xi32>], vector<16xf32>,
      %gather3A_189 = tpu.vector_load_idx %arg5[%select_n3A_76, %broadcast_in_dim3A_3] : memref<160x4xf32, #tpu.memory_space<vmem>>[vector<16xi32>, vector<16xi32>], vector<16xf32>,
      %gather3A_190 = tpu.vector_load_idx %arg5[%select_n3A_76, %broadcast_in_dim3A_5] : memref<160x4xf32, #tpu.memory_space<vmem>>[vector<16xi32>, vector<16xi32>], vector<16xf32>,
      %gather3A_191 = tpu.vector_load_idx %arg5[%select_n3A_76, %broadcast_in_dim3A_7] : memref<160x4xf32, #tpu.memory_space<vmem>>[vector<16xi32>, vector<16xi32>], vector<16xf32>,
      %gather3A_192 = tpu.vector_load_idx %arg6[%add3A_188, %broadcast_in_dim3A_1] : memref<160x4xf32, #tpu.memory_space<vmem>>[vector<16xi32>, vector<16xi32>], vector<16xf32>,
      %gather3A_193 = tpu.vector_load_idx %arg6[%add3A_188, %broadcast_in_dim3A_3] : memref<160x4xf32, #tpu.memory_space<vmem>>[vector<16xi32>, vector<16xi32>], vector<16xf32>,
      %gather3A_194 = tpu.vector_load_idx %arg6[%add3A_188, %broadcast_in_dim3A_5] : memref<160x4xf32, #tpu.memory_space<vmem>>[vector<16xi32>, vector<16xi32>], vector<16xf32>,
      %gather3A_195 = tpu.vector_load_idx %arg6[%add3A_188, %broadcast_in_dim3A_7] : memref<160x4xf32, #tpu.memory_space<vmem>>[vector<16xi32>, vector<16xi32>], vector<16xf32>,
      %max3A_196 = arith.maximumf %gather3A, %gather3A_192 : vector<16xf32>
      %min3A_197 = arith.minimumf %gather3A_190, %gather3A_194 : vector<16xf32>
      %max3A_198 = arith.maximumf %gather3A_189, %gather3A_193 : vector<16xf32>
      %min3A_199 = arith.minimumf %gather3A_191, %gather3A_195 : vector<16xf32>
      %sub3A_200 = arith.subf %min3A_197, %max3A_196 : vector<16xf32>
      %max3A_201 = arith.constant 0.000000e+00 : f32
      %max3A_202 = vector.broadcast %max3A_201 : f32 to vector<16xf32>
      %max3A_203 = arith.maximumf %sub3A_200, %max3A_202 : vector<16xf32>
      %sub3A_204 = arith.subf %min3A_199, %max3A_198 : vector<16xf32>
      %max3A_205 = arith.constant 0.000000e+00 : f32
      %max3A_206 = vector.broadcast %max3A_205 : f32 to vector<16xf32>
      %max3A_207 = arith.maximumf %sub3A_204, %max3A_206 : vector<16xf32>
      %mul3A_208 = arith.mulf %max3A_203, %max3A_207 : vector<16xf32>
      %sub3A_209 = arith.subf %gather3A_190, %gather3A : vector<16xf32>
      %add3A_210 = arith.constant 1.000000e+00 : f32
      %add3A_211 = vector.broadcast %add3A_210 : f32 to vector<16xf32>
      %add3A_212 = arith.addf %sub3A_209, %add3A_211 : vector<16xf32>
      %sub3A_213 = arith.subf %gather3A_191, %gather3A_189 : vector<16xf32>
      %add3A_214 = arith.constant 1.000000e+00 : f32
      %add3A_215 = vector.broadcast %add3A_214 : f32 to vector<16xf32>
      %add3A_216 = arith.addf %sub3A_213, %add3A_215 : vector<16xf32>
      %mul3A_217 = arith.mulf %add3A_212, %add3A_216 : vector<16xf32>
      %sub3A_218 = arith.subf %gather3A_194, %gather3A_192 : vector<16xf32>
      %add3A_219 = arith.constant 1.000000e+00 : f32
      %add3A_220 = vector.broadcast %add3A_219 : f32 to vector<16xf32>
      %add3A_221 = arith.addf %sub3A_218, %add3A_220 : vector<16xf32>
      %sub3A_222 = arith.subf %gather3A_194, %gather3A_193 : vector<16xf32>
      %add3A_223 = arith.constant 1.000000e+00 : f32
      %add3A_224 = vector.broadcast %add3A_223 : f32 to vector<16xf32>
      %add3A_225 = arith.addf %sub3A_222, %add3A_224 : vector<16xf32>
      %mul3A_226 = arith.mulf %add3A_221, %add3A_225 : vector<16xf32>
      %add3A_227 = arith.addf %mul3A_217, %mul3A_226 : vector<16xf32>
      %sub3A_228 = arith.subf %add3A_227, %mul3A_208 : vector<16xf32>
      %div3A_229 = arith.divf %mul3A_208, %sub3A_228 : vector<16xf32>
      %ne3A_230 = arith.constant 248 : i32
      %ne3A_231 = vector.broadcast %ne3A_230 : i32 to vector<16xi32>
      %ne3A_232 = arith.cmpi ne, %add3A_153, %ne3A_231 : vector<16xi32>
      %jit3A_233 = arith.constant 0.000000e+00 : f32
      %broadcast_in_dim3A_234 = vector.broadcast %jit3A_233 : f32 to vector<16xf32>
      %select_n3A_235 = arith.select %ne3A_232, %div3A_229, %broadcast_in_dim3A_234 : vector<16xi1>, vector<16xf32>
      tpu.vector_store_idx %arg7[%select_n3A_76, %select_n3A_96], %select_n3A_235 : memref<160x20xf32, #tpu.memory_space<vmem>>[vector<16xi32>, vector<16xi32>], vector<16xf32>,
    }
    "tpu.region"() ({
      %run_scoped3A = tpu.sem_alloc : memref<!tpu.dma_semaphore, #tpu.memory_space<semaphore_mem>>
      %dma_start3A = arith.constant 0 : i32
      %dma_start3A_41 = tpu.memref_slice %arg4[%mul3A_9, %dma_start3A] : memref<5120x20xf32, #tpu.memory_space<hbm>> -> memref<160x20xf32, #tpu.memory_space<hbm>>
      %dma_start3A_42 = arith.constant 0 : i32
      %dma_start3A_43 = tpu.memref_slice %arg4[%mul3A_9, %dma_start3A_42] : memref<5120x20xf32, #tpu.memory_space<hbm>> -> memref<160x20xf32, #tpu.memory_space<hbm>>
      tpu.enqueue_dma source(%arg7 : memref<160x20xf32, #tpu.memory_space<vmem>>) target(%dma_start3A_43 : memref<160x20xf32, #tpu.memory_space<hbm>>) target_semaphore(%run_scoped3A : memref<!tpu.dma_semaphore, #tpu.memory_space<semaphore_mem>>)
      %dma_wait3A = arith.constant 0 : i32
      %dma_wait3A_44 = tpu.memref_slice %arg4[%mul3A_9, %dma_wait3A] : memref<5120x20xf32, #tpu.memory_space<hbm>> -> memref<160x20xf32, #tpu.memory_space<hbm>>
      %dma_wait3A_45 = arith.constant 0 : i32
      %dma_wait3A_46 = tpu.memref_slice %arg4[%mul3A_9, %dma_wait3A_45] : memref<5120x20xf32, #tpu.memory_space<hbm>> -> memref<160x20xf32, #tpu.memory_space<hbm>>
      tpu.wait_dma2 semaphore(%run_scoped3A : memref<!tpu.dma_semaphore, #tpu.memory_space<semaphore_mem>>) src(%arg7 : memref<160x20xf32, #tpu.memory_space<vmem>>) dst(%dma_wait3A_46 : memref<160x20xf32, #tpu.memory_space<hbm>>)
      tpu.yield
    }) : () -> ()
    return
  }
}

module attributes {stable_mosaic.version = 14 : i64} {
  func.func @_tc_strip_kernel(%arg0: i32, %arg1: memref<640x20xf32, #tpu.memory_space<vmem>>, %arg2: memref<640x5000xf32, #tpu.memory_space<vmem>>) attributes {dimension_semantics = [#tpu.dimension_semantics<arbitrary>], iteration_bounds = array<i64: 8>, scalar_prefetch = 0 : i64, scratch_operands = 0 : i64, tpu.core_type = #tpu.core_type<tc>, window_params = [{transform_indices = @transform_0, window_bounds = array<i64: 640, 20>}, {transform_indices = @transform_1, window_bounds = array<i64: 640, 5000>}]} {
    %get3A = arith.constant 0 : index
    %get3A_0 = arith.constant 0 : index
    %get3A_1 = vector.load %arg1[%get3A, %get3A_0] : memref<640x20xf32, #tpu.memory_space<vmem>>, vector<640x20xf32>
    %concatenate3A = tpu.concatenate %get3A_1, %get3A_1, %get3A_1, %get3A_1, %get3A_1, %get3A_1, %get3A_1, %get3A_1, %get3A_1, %get3A_1, %get3A_1, %get3A_1, %get3A_1, %get3A_1, %get3A_1, %get3A_1, %get3A_1, %get3A_1, %get3A_1, %get3A_1, %get3A_1, %get3A_1, %get3A_1, %get3A_1, %get3A_1, %get3A_1, %get3A_1, %get3A_1, %get3A_1, %get3A_1, %get3A_1, %get3A_1 in 1 : vector<640x20xf32>, vector<640x20xf32>, vector<640x20xf32>, vector<640x20xf32>, vector<640x20xf32>, vector<640x20xf32>, vector<640x20xf32>, vector<640x20xf32>, vector<640x20xf32>, vector<640x20xf32>, vector<640x20xf32>, vector<640x20xf32>, vector<640x20xf32>, vector<640x20xf32>, vector<640x20xf32>, vector<640x20xf32>, vector<640x20xf32>, vector<640x20xf32>, vector<640x20xf32>, vector<640x20xf32>, vector<640x20xf32>, vector<640x20xf32>, vector<640x20xf32>, vector<640x20xf32>, vector<640x20xf32>, vector<640x20xf32>, vector<640x20xf32>, vector<640x20xf32>, vector<640x20xf32>, vector<640x20xf32>, vector<640x20xf32>, vector<640x20xf32> -> vector<640x640xf32>
    %iota3A = tpu.iota {dimensions = array<i32: 0>} : vector<640x640xi32>
    %jit3A = arith.constant 20 : i32
    %div3A = vector.broadcast %jit3A : i32 to vector<640x640xi32>
    %div3A_2 = arith.divsi %iota3A, %div3A : vector<640x640xi32>
    %sign3A = arith.constant 0 : i32
    %sign3A_3 = vector.broadcast %sign3A : i32 to vector<640x640xi32>
    %sign3A_4 = arith.cmpi sgt, %iota3A, %sign3A_3 : vector<640x640xi32>
    %sign3A_5 = arith.extui %sign3A_4 : vector<640x640xi1> to vector<640x640xi32>
    %sign3A_6 = arith.constant 0 : i32
    %sign3A_7 = vector.broadcast %sign3A_6 : i32 to vector<640x640xi32>
    %sign3A_8 = arith.cmpi slt, %iota3A, %sign3A_7 : vector<640x640xi32>
    %sign3A_9 = arith.extui %sign3A_8 : vector<640x640xi1> to vector<640x640xi32>
    %sign3A_10 = arith.subi %sign3A_5, %sign3A_9 : vector<640x640xi32>
    %sign3A_11 = arith.constant 0 : i32
    %sign3A_12 = arith.cmpi sgt, %jit3A, %sign3A_11 : i32
    %sign3A_13 = arith.extui %sign3A_12 : i1 to i32
    %sign3A_14 = arith.constant 0 : i32
    %sign3A_15 = arith.cmpi slt, %jit3A, %sign3A_14 : i32
    %sign3A_16 = arith.extui %sign3A_15 : i1 to i32
    %sign3A_17 = arith.subi %sign3A_13, %sign3A_16 : i32
    %ne3A = vector.broadcast %sign3A_17 : i32 to vector<640x640xi32>
    %ne3A_18 = arith.cmpi ne, %sign3A_10, %ne3A : vector<640x640xi32>
    %rem3A = vector.broadcast %jit3A : i32 to vector<640x640xi32>
    %rem3A_19 = arith.remsi %iota3A, %rem3A : vector<640x640xi32>
    %ne3A_20 = arith.constant 0 : i32
    %ne3A_21 = vector.broadcast %ne3A_20 : i32 to vector<640x640xi32>
    %ne3A_22 = arith.cmpi ne, %rem3A_19, %ne3A_21 : vector<640x640xi32>
    %and3A = arith.andi %ne3A_18, %ne3A_22 : vector<640x640xi1>
    %sub3A = arith.constant 1 : i32
    %sub3A_23 = vector.broadcast %sub3A : i32 to vector<640x640xi32>
    %sub3A_24 = arith.subi %div3A_2, %sub3A_23 : vector<640x640xi32>
    %select_n3A = arith.select %and3A, %sub3A_24, %div3A_2 : vector<640x640xi1>, vector<640x640xi32>
    %iota3A_25 = tpu.iota {dimensions = array<i32: 1>} : vector<640x640xi32>
    %jit3A_26 = arith.constant 20 : i32
    %div3A_27 = vector.broadcast %jit3A_26 : i32 to vector<640x640xi32>
    %div3A_28 = arith.divsi %iota3A_25, %div3A_27 : vector<640x640xi32>
    %sign3A_29 = arith.constant 0 : i32
    %sign3A_30 = vector.broadcast %sign3A_29 : i32 to vector<640x640xi32>
    %sign3A_31 = arith.cmpi sgt, %iota3A_25, %sign3A_30 : vector<640x640xi32>
    %sign3A_32 = arith.extui %sign3A_31 : vector<640x640xi1> to vector<640x640xi32>
    %sign3A_33 = arith.constant 0 : i32
    %sign3A_34 = vector.broadcast %sign3A_33 : i32 to vector<640x640xi32>
    %sign3A_35 = arith.cmpi slt, %iota3A_25, %sign3A_34 : vector<640x640xi32>
    %sign3A_36 = arith.extui %sign3A_35 : vector<640x640xi1> to vector<640x640xi32>
    %sign3A_37 = arith.subi %sign3A_32, %sign3A_36 : vector<640x640xi32>
    %sign3A_38 = arith.constant 0 : i32
    %sign3A_39 = arith.cmpi sgt, %jit3A_26, %sign3A_38 : i32
    %sign3A_40 = arith.extui %sign3A_39 : i1 to i32
    %sign3A_41 = arith.constant 0 : i32
    %sign3A_42 = arith.cmpi slt, %jit3A_26, %sign3A_41 : i32
    %sign3A_43 = arith.extui %sign3A_42 : i1 to i32
    %sign3A_44 = arith.subi %sign3A_40, %sign3A_43 : i32
    %ne3A_45 = vector.broadcast %sign3A_44 : i32 to vector<640x640xi32>
    %ne3A_46 = arith.cmpi ne, %sign3A_37, %ne3A_45 : vector<640x640xi32>
    %rem3A_47 = vector.broadcast %jit3A_26 : i32 to vector<640x640xi32>
    %rem3A_48 = arith.remsi %iota3A_25, %rem3A_47 : vector<640x640xi32>
    %ne3A_49 = arith.constant 0 : i32
    %ne3A_50 = vector.broadcast %ne3A_49 : i32 to vector<640x640xi32>
    %ne3A_51 = arith.cmpi ne, %rem3A_48, %ne3A_50 : vector<640x640xi32>
    %and3A_52 = arith.andi %ne3A_46, %ne3A_51 : vector<640x640xi1>
    %sub3A_53 = arith.constant 1 : i32
    %sub3A_54 = vector.broadcast %sub3A_53 : i32 to vector<640x640xi32>
    %sub3A_55 = arith.subi %div3A_28, %sub3A_54 : vector<640x640xi32>
    %select_n3A_56 = arith.select %and3A_52, %sub3A_55, %div3A_28 : vector<640x640xi1>, vector<640x640xi32>
    %eq3A = arith.cmpi eq, %select_n3A, %select_n3A_56 : vector<640x640xi32>
    %jit3A_57 = arith.constant 0.000000e+00 : f32
    %broadcast_in_dim3A = vector.broadcast %jit3A_57 : f32 to vector<640x640xf32>
    %select_n3A_58 = arith.select %eq3A, %concatenate3A, %broadcast_in_dim3A : vector<640x640xi1>, vector<640x640xf32>
    %broadcast_in_dim3A_59 = arith.constant 0.000000e+00 : f32
    %broadcast_in_dim3A_60 = vector.broadcast %broadcast_in_dim3A_59 : f32 to vector<640x5000xf32>
    %swap3A = arith.constant 0 : index
    %swap3A_61 = arith.constant 0 : index
    %swap3A_62 = vector.load %arg2[%swap3A, %swap3A_61] : memref<640x5000xf32, #tpu.memory_space<vmem>>, vector<640x5000xf32>
    tpu.vector_store %arg2[%swap3A, %swap3A_61], %broadcast_in_dim3A_60 {strides = array<i32>} : memref<640x5000xf32, #tpu.memory_space<vmem>>, vector<640x5000xf32>,
    %lt3A = arith.constant 7 : i32
    %lt3A_63 = arith.cmpi slt, %arg0, %lt3A : i32
    %convert_element_type3A = arith.extui %lt3A_63 : i1 to i32
    %cond3A = arith.constant 0 : i32
    %cond3A_64 = arith.cmpi ne, %convert_element_type3A, %cond3A : i32
    scf.if %cond3A_64 {
      %mul3A = arith.constant 640 : i32
      %mul3A_70 = arith.muli %arg0, %mul3A : i32
      %swap3A_71 = arith.constant 0 : index
      %swap3A_72 = arith.index_cast %mul3A_70 : i32 to index
      %swap3A_73 = vector.load %arg2[%swap3A_71, %swap3A_72] : memref<640x5000xf32, #tpu.memory_space<vmem>>, vector<640x640xf32>
      tpu.vector_store %arg2[%swap3A_71, %swap3A_72], %select_n3A_58 {strides = array<i32>} : memref<640x5000xf32, #tpu.memory_space<vmem>>, vector<640x640xf32>,
    } else {
    }
    %eq3A_65 = arith.constant 7 : i32
    %eq3A_66 = arith.cmpi eq, %arg0, %eq3A_65 : i32
    %convert_element_type3A_67 = arith.extui %eq3A_66 : i1 to i32
    %cond3A_68 = arith.constant 0 : i32
    %cond3A_69 = arith.cmpi ne, %convert_element_type3A_67, %cond3A_68 : i32
    scf.if %cond3A_69 {
      %slice3A = vector.extract_strided_slice %select_n3A_58 {offsets = [0, 0], sizes = [640, 520], strides = [1, 1]} : vector<640x640xf32> to vector<640x520xf32>
      %mul3A = arith.constant 640 : i32
      %mul3A_70 = arith.muli %arg0, %mul3A : i32
      %swap3A_71 = arith.constant 0 : index
      %swap3A_72 = arith.index_cast %mul3A_70 : i32 to index
      %swap3A_73 = vector.load %arg2[%swap3A_71, %swap3A_72] : memref<640x5000xf32, #tpu.memory_space<vmem>>, vector<640x520xf32>
      tpu.vector_store %arg2[%swap3A_71, %swap3A_72], %slice3A {strides = array<i32>} : memref<640x5000xf32, #tpu.memory_space<vmem>>, vector<640x520xf32>,
    } else {
    }
    return
  }
  func.func @transform_0(%arg0: i32) -> (i32, i32) {
    %c0_i32 = arith.constant 0 : i32
    %c0_i32_0 = arith.constant 0 : i32
    return %arg0, %c0_i32 : i32, i32
  }
  func.func @transform_1(%arg0: i32) -> (i32, i32) {
    %c0_i32 = arith.constant 0 : i32
    %c0_i32_0 = arith.constant 0 : i32
    return %arg0, %c0_i32 : i32, i32
  }
}

</mosaic_0001>

<sc_bundles>
// kernel: kernel.4.cloned.1.call-start
scs
__scs_entry_jumppad:
0x0: {  	(pc) =	sbr.rel $0x88, $3  }
0x1: {  	(tag) =	ssettag $0x0;
	lr =	simm.s32 $0x1  }
0x2: {  	[smem:$0x3FA0] =	sst lr;
	_ =	strace $0xD0000000  }
0x3: {  	_ = 	snop  }
0x4: {  	_ = 	snop  }
0x5: {  	_ = 	snop  }
0x6: {  	_ = 	snop  }
0x7: {  	_ = 	snop  }
__scs_overlays_trampoline_lowered:
0x8: {  	[smem:$0x3FAF] =	sst s0  }
0x9: {  	[smem:$0x3FB0] =	sst s1  }
0xa: {  	[smem:$0x3FB1] =	sst s2  }
0xb: {  	[smem:$0x3FB2] =	sst s3  }
0xc: {  	[smem:$0x3FB3] =	sst s4  }
0xd: {  	[smem:$0x3FB4] =	sst s5  }
0xe: {  	[smem:$0x3FB5] =	sst s6  }
0xf: {  	[smem:$0x3FB6] =	sst s7  }
0x10: {  	[smem:$0x3FB7] =	sst s8  }
0x11: {  	[smem:$0x3FB8] =	sst s9;
	s0 =	simm.s32 @!p0 $0x0  }
0x12: {  	s1 =	sld [smem:$0x3F9E];
	s0 =	simm.s32 @p0 $0x1  }
0x13: {  	[smem:$0x3FB9] =	sst s0;
	s0 =	simm.s32 @!p1 $0x0  }
0x14: {  	s2 =	sld [smem:$0x3F9D];
	s0 =	simm.s32 @p1 $0x1  }
0x15: {  	[smem:$0x3FBA] =	sst s0;
	s0 =	simm.s32 @!p2 $0x0  }
0x16: {  	s3 =	sld [smem:$0x3FDB];
	s0 =	simm.s32 @p2 $0x1  }
0x17: {  	s4 =	simm.s32 $0x1BF5;
	[smem:$0x3FBC] =	sst s0  }
0x18: {  	s0 =	sld [smem:$0x3F9F];
	_ =	swait.ge [sflag:s4], $0x0  }
0x19: {  	s7 =	sld [smem:$0x3FA0]  }
0x1a: {  	s8 =	sadd.s32 $0xFFFFE003, lr  }
0x1b: {  	s9 =	sadd.s32 $0xFFFFFEF7, lr;
	s5 =	simm.s32 $0xFFFFFFFF;
	p2 =	slt.u32 s8, $0xFFFFF086  }
0x1c: {  	p1 =	slt.u32 s9, $0xF7A;
	s5 =	simm.s32 @!p2 $0x0  }
0x1d: {  	s5 =	simm.s32 @p1 $0x1;
	p0 =	seq.s32 s7, s2  }
0x1e: {  	s7 =	smul.u32 @!p0 $0xF7A, s2;
	p2 =	seq.s32 @!p0 s5, $0x0  }
0x1f: {  	s9 =	smul.u32 $0xF7A, s1;
	s8 =	simm.s32 @!p0 $0x1BF5;
	p2 =	por !p2, p0  }
0x20: {  	[sflag:s8] =	ssyncset.s32 @!p0 $0xFFFFF086;
	s6 =	sadd.s32 @!p0 s3, s7;
	s7 =	simm.s32 @!p0 $0x108  }
0x21: {  	s3 =	sadd.s32 s3, s9;
	s6 =	sadd.s32 @!p0 $0x88, s6;
	s7 =	simm.s32 @p2 $0x1082  }
0x22: {  	[simem:s7], [sflag:s8] =	dma.local @!p0 [hbm:s6], $0xF7A  }
0x23: {  	s9 =	sor.u32 $0xD0000000, s2;
	s6 =	simm.s32 $0x108;
	_ =	swait.ge @!p0 [sflag:s8], $0x0  }
0x24: {  	s3 =	sadd.s32 $0x88, s3;
	s6 =	simm.s32 @!p1 $0x1082;
	[sflag:s4] =	ssyncset.s32 $0xFFFFF086  }
0x25: {  	[simem:s6], [sflag:s4] =	dma.local [hbm:s3], $0xF7A  }
0x26: {  	[smem:$0x3FA0] =	sst s1;
	(tag) =	ssettag s2;
	_ =	strace s9  }
0x27: {  	s1 =	sld [smem:$0x3FB0]  }
0x28: {  	s2 =	sld [smem:$0x3FB1]  }
0x29: {  	s4 =	sld [smem:$0x3FB3]  }
0x2a: {  	p0 =	seq.s32 s5, $0x0;
	s5 =	sld [smem:$0x3FB4]  }
0x2b: {  	s6 =	sld [smem:$0x3FB5]  }
0x2c: {  	s7 =	sld [smem:$0x3FB6]  }
0x2d: {  	s3 =	simm.s32 $0x108;
	s8 =	sld [smem:$0x3FB7]  }
0x2e: {  	s3 =	simm.s32 @!p0 $0x1082;
	s9 =	sld [smem:$0x3FB8]  }
0x2f: {  	lr =	sadd.s32 s0, s3;
	s0 =	sld [smem:$0x3FAF]  }
0x30: {  	s3 =	sld [smem:$0x3FB2]  }
0x31: {  	[smem:$0x3FBB] =	sst s10  }
0x32: {  	s10 =	sld [smem:$0x3FB9];
	_ =	sdelay $0x3  }
0x33: {  	p0 =	seq.s32 s10, $0x1;
	s10 =	sld [smem:$0x3FBB];
	_ =	sdelay $0x3  }
0x34: {  	[smem:$0x3FBB] =	sst s10  }
0x35: {  	s10 =	sld [smem:$0x3FBA];
	_ =	sdelay $0x3  }
0x36: {  	p1 =	seq.s32 s10, $0x1;
	s10 =	sld [smem:$0x3FBB];
	_ =	sdelay $0x3  }
0x37: {  	[smem:$0x3FBB] =	sst s10  }
0x38: {  	s10 =	sld [smem:$0x3FBC]  }
0x39: {  	_ = 	snop;
	(pc) =	sbr.ind lr, $3  }
0x3a: {  	_ = 	snop  }
0x3b: {  	_ = 	snop  }
0x3c: {  	p2 =	seq.s32 s10, $0x1;
	s10 =	sld [smem:$0x3FBB]  }
0x3d: {  	_ =	shalt  }
0x3e: {  	_ =	shalt  }
0x3f: {  	_ =	shalt  }
0x40: {  	_ =	shalt  }
0x41: {  	_ =	shalt  }
0x42: {  	_ =	shalt  }
0x43: {  	_ =	shalt  }
0x44: {  	_ =	shalt  }
0x45: {  	_ =	shalt  }
0x46: {  	_ =	shalt  }
0x47: {  	_ =	shalt  }
0x48: {  	_ =	shalt  }
0x49: {  	_ =	shalt  }
0x4a: {  	_ =	shalt  }
0x4b: {  	_ =	shalt  }
0x4c: {  	_ =	shalt  }
0x4d: {  	_ =	shalt  }
0x4e: {  	_ =	shalt  }
0x4f: {  	_ =	shalt  }
0x50: {  	_ =	shalt  }
0x51: {  	_ =	shalt  }
0x52: {  	_ =	shalt  }
0x53: {  	_ =	shalt  }
0x54: {  	_ =	shalt  }
0x55: {  	_ =	shalt  }
0x56: {  	_ =	shalt  }
0x57: {  	_ =	shalt  }
0x58: {  	_ =	shalt  }
0x59: {  	_ =	shalt  }
0x5a: {  	_ =	shalt  }
0x5b: {  	_ =	shalt  }
0x5c: {  	_ =	shalt  }
0x5d: {  	_ =	shalt  }
0x5e: {  	_ =	shalt  }
0x5f: {  	_ =	shalt  }
0x60: {  	_ =	shalt  }
0x61: {  	_ =	shalt  }
0x62: {  	_ =	shalt  }
0x63: {  	_ =	shalt  }
0x64: {  	_ =	shalt  }
0x65: {  	_ =	shalt  }
0x66: {  	_ =	shalt  }
0x67: {  	_ =	shalt  }
0x68: {  	_ =	shalt  }
0x69: {  	_ =	shalt  }
0x6a: {  	_ =	shalt  }
0x6b: {  	_ =	shalt  }
0x6c: {  	_ =	shalt  }
0x6d: {  	_ =	shalt  }
0x6e: {  	_ =	shalt  }
0x6f: {  	_ =	shalt  }
0x70: {  	_ =	shalt  }
0x71: {  	_ =	shalt  }
0x72: {  	_ =	shalt  }
0x73: {  	_ =	shalt  }
0x74: {  	_ =	shalt  }
0x75: {  	_ =	shalt  }
0x76: {  	_ =	shalt  }
0x77: {  	_ =	shalt  }
0x78: {  	_ =	shalt  }
0x79: {  	_ =	shalt  }
0x7a: {  	_ =	shalt  }
0x7b: {  	_ =	shalt  }
0x7c: {  	_ =	shalt  }
0x7d: {  	_ =	shalt  }
0x7e: {  	_ =	shalt  }
0x7f: {  	_ =	shalt  }
0x80: {  	_ =	shalt  }
0x81: {  	_ =	shalt  }
0x82: {  	_ =	shalt  }
0x83: {  	_ =	shalt  }
0x84: {  	_ =	shalt  }
0x85: {  	_ =	shalt  }
0x86: {  	_ =	shalt  }
0x87: {  	_ =	shalt  }
.Lfunc_end0:
.L_simem_size_0:
called_computation_lowered:
.L_overlay_start_0:
0x88: {  	s2 =	sld [smem:$0x3FD9]  }
0x89: {  	s3 =	sld [smem:$0x3FFE];
	_ =	sdelay $0x1  }
0x8a: {  	s1 =	srdreg.scid  }
0x8b: {  	s0 =	sand.u32 $0x1, s1  }
0x8c: {  	s17 =	sshll.u32 s0, $0xA;
	s2 =	sadd.s32 s3, s2  }
0x8d: {  	s2 =	sadd.s32 s2, s17  }
0x8e: {  	[smem:$0x3FC7] =	sst s2  }
0x8f: {  	_ = 	snop  }
0x90: {  	s2 =	sld [smem:$0x3FD0];
	(tm) =	ssettm $0x1  }
0x91: {  	s18 =	sld [smem:$0x3FFB];
	_ =	sdelay $0x3  }
0x92: {  	_ =	strace s18  }
0x93: {  	s3 =	sld [smem:$0x3FFC];
	_ =	sdelay $0x3  }
0x94: {  	_ =	strace s3  }
0x95: {  	s3 =	sld [smem:$0x3FFD];
	_ =	sdelay $0x3  }
0x96: {  	_ =	strace s3  }
0x97: {  	_ =	strace $0x8FFFFFFF  }
0x98: {  	s19 =	sld [smem:$0x3FDB];
	_ =	sdelay $0x1  }
0x99: {  	s4 =	simm.s32 $_scs_section_size  }
0x9a: {  	s5 =	simm.s32 $_size__tile_overlayer_lowered;
	s6 =	simm.s32 $_tile_overlayer_lowered  }
0x9b: {  	s22 =	simm.s32 $0x1BFF;
	s21 =	sshll.u32 s6, $0x1;
	s3 =	sadd.s32 s4, s19  }
0x9c: {  	s7 =	simm.s32 $0x0;
	s20 =	sshll.u32 s5, $0x1;
	s5 =	sadd.s32 s21, s3  }
0x9d: {  	[timem:s7], [sflag:s22] =	dma.local [hbm:s5], s20  }
0x9e: {  	_ =	swait.ge [sflag:s22], s20  }
0x9f: {  	s4 =	ssub.s32 $0x0, s20;
	[sflag:s22] =	ssyncset.done $0x0  }
0xa0: {  	[sflag:s22] =	ssyncadd.s32 s4;
	_ =	sdelay $0x1  }
0xa1: {  	s23 =	simm.s32 $0x1B8B  }
0xa2: {  	_ =	swait.ge [sflag:s23], $0x1  }
0xa3: {  	[sflag:s23] =	ssyncset.done $0x0  }
0xa4: {  	s25 =	simm.s32 $0x1B8E;
	s24 =	sld [smem:$0x3FFE];
	[sflag:s23] =	ssyncadd.s32 $0xFFFFFFFF  }
0xa5: {  	s26 =	simm.s32 $execute0_lowered;
	[smem:$0x3FD2] =	sst s25  }
0xa6: {  	s5 =	sshll.u32 s26, $0x1;
	_ =	strace $0x80000046;
	[dreg:$0x1] =	wrdreg $0xFFFFFFFF  }
0xa7: {  	s28 =	simm.s32 $_size_execute0_lowered;
	s3 =	sadd.s32 s3, s5;
	[dreg:$0x0] =	wrdreg $0x0  }
0xa8: {  	s5 =	sshll.u32 s28, $0x1;
	[dreg:$0x2] =	wrdreg s3  }
0xa9: {  	[dreg:$0x3] =	wrdreg s5  }
0xaa: {  	[dreg:$0x4] =	wrdreg $0xC0  }
0xab: {  	_ =	task [dreg:s7], $0x5FFFF  }
0xac: {  	[dreg:$0x1] =	wrdreg $0xFFFFFFFF  }
0xad: {  	[dreg:$0x0] =	wrdreg $0x60  }
0xae: {  	[dreg:$0x2] =	wrdreg s24  }
0xaf: {  	[dreg:$0x3] =	wrdreg s2  }
0xb0: {  	[dreg:$0x4] =	wrdreg $0x9  }
0xb1: {  	_ =	task.clear_ibuf [dreg:s7], $0x5FFFF;
	_ =	strace $0x90000046  }
0xb2: {  	s29 =	simm.s32 $0x9;
	_ =	strace $0x80000048  }
0xb3: {  	_ =	swait.ge [sflag:s29], $0x1  }
0xb4: {  	[sflag:s29] =	ssyncadd.s32 $0xFFFFFFFF  }
0xb5: {  	_ =	strace $0x90000048  }
0xb6: {  	_ =	sfence  }
0xb7: {  	s30 =	sld [smem:$0x0];
	_ =	sdelay $0x2  }
0xb8: {  	s31 =	sshll.u32 s1, $0xD;
	s1 =	sshrl.u32 s1, $0x2  }
0xb9: {  	s3 =	sand.u32 $0x4000, s31;
	s1 =	sadd.s32 s1, s30  }
0xba: {  	s0 =	sor.u32 s3, s0;
	s1 =	sshll.u32 s1, $0x11  }
0xbb: {  	s0 =	sor.u32 s1, s0  }
0xbc: {  	s0 =	sadd.s32 $0x8F2B, s0  }
0xbd: {  	[sflag:s0] =	ssyncadd.remote.s32 $0x1  }
0xbe: {  	_ =	sfence.sel $0xFFFF  }
0xbf: {  	[dreg:$0x0] =	wrdreg $0xFFFFFFFF;
	(pc) =	sbr.abs _section_cstart, $3  }
0xc0: {  	[dreg:$0x1] =	wrdreg $0xFFFFFFFF  }
0xc1: {  	_ =	task.clear_ibuf [dreg:s7], $0x2FFFF;
	_ =	strace $0x9FFFFFFF  }
0xc2: {  	(tm) =	ssettm $0x7FFFFFFF  }
0xc3: {  	_ =	shalt  }
tec
execute0_lowered:
.L_overlay_start_1:
0x0: {  	(tag) =	ssettag $0x1  }
0x1: {  	s0 =	srdreg.scid  }
0x2: {  	s1 =	rddreg [dreg:$0x0];
	s5 =	stileid.u32  }
0x3: {  	s3 =	rddreg [dreg:$0x1];
	s0 =	sand.u32 $0x1, s0;
	s4 =	smul.u32 $0xFFFFFEC0, s5  }
0x4: {  	s29 =	simm.s32 $0x0;
	s5 =	sshll.u32 s5, $0x1;
	s2 =	smul.u32 $0xFFFFFF60, s0  }
0x5: {  	[smem:$0x7FF] =	sst s29;
	s5 =	sor.u32 s0, s5  }
0x6: {  	s0 =	ssub.s32 $0x2, s0;
	s6 =	smul.u32 $0xA0, s5;
	s2 =	sadd.s32 s2, s4  }
0x7: {  	v0 =	vimm.s32 $0xECA86420;
	s22 =	sshll.u32 s5, $0x3;
	s5 =	smul.u32 $0x1E0, s5;
	p0 =	slt.s32 s2, $0xFFFFED18  }
0x8: {  	v1 =	vlaneseq.u32;
	vm0 =	vcmask $0xB08;
	_ =	strace $0x80000047;
	s23 =	sshrl.u32 s0, $0x1;
	s2 =	simm.s32 @!p0 $0xFFFFED18  }
0x9: {  	vm1 =	vcmask $0x1310;
	vm2 =	vcmask $0x1B18;
	vm3 =	vcmask $0x300;
	s0 =	ssub.s32 s0, s23;
	s25 =	sadd.s32 s3, s5;
	s2 =	smul.u32 $0x14, s2  }
0xa: {  	vm4 =	vcmask $0x2320;
	vm5 =	vcmask $0x2B28;
	vm6 =	vcmask $0x3330;
	s1 =	sadd.s32 s6, s1;
	s0 =	smax.u32 s0, $0x1;
	[dreg:$0x18] =	wrdreg s25  }
0xb: {  	vm7 =	vcmask $0x3B38;
	vm8 =	vmmov $0xff;
	vm13 =	vcmask $0x1714;
	s24 =	sadd.s32 $0x1800, s1;
	[dreg:$0x19] =	wrdreg s0;
	s2 =	sadd.s32 $0x186A0, s2  }
0xc: {  	vm14 =	vcmask $0x1F1C;
	vm15 =	vcmask $0x2724;
	v2 =	vunpack.c.l.s4.s8 v0;
	s1 =	sadd.s32 $0x400, s1;
	[dreg:$0x16] =	wrdreg s24;
	s26 =	sshrl.u32 s2, $0x4  }
0xd: {  	s30 =	simm.s32 $0x1;
	vm11 =	vcmask $0x2F2C;
	vm12 =	vcmask $0x3734;
	v4 =	vimm.s32 $0x0;
	[dreg:$0x17] =	wrdreg s1;
	s28 =	ssub.s32 $0x0, s26  }
0xe: {  	s31 =	simm.s32 $0x500;
	s12 =	simm.s32 $0x0;
	v3 =	vmul.u32 $0x2, v1;
	v2 =	vunpack.c.0.s8.s32 v2;
	v0 =	vmov s22;
	[dreg:$0x1a] =	wrdreg s28  }
.LBB2_1:
0xf: {  	[dreg:$0x1b] =	wrdreg s12  }
0x10: {  	s0 =	rddreg [dreg:$0x16]  }
0x11: {  	[tilespmem:s29], [sflag:$0x1] =	stream.linear.gather [hbm4b:s0+s29], $0x500, $0x38;
	[tilespmem:$0x1900] =	vst v63  }
0x12: {  	_ =	swait.ge [sflag:s30], $0x500  }
0x13: {  	[sflag:s30] =	ssyncset.done $0x0  }
0x14: {  	s25 =	rddreg [dreg:$0x17];
	[sflag:s30] =	ssyncadd.s32 $0xFFFFFB00  }
0x15: {  	[tilespmem:s31], [sflag:$0x1] =	stream.linear.gather [hbm4b:s25+s29], $0x500, $0x38;
	[tilespmem:$0x1900] =	vst v63  }
0x16: {  	v10 =	vor.u32 s29, v1;
	_ =	swait.ge [sflag:s30], $0x500  }
0x17: {  	(v2sf) =	vpush v10, $0xF  }
0x18: {  	(v2sf) =	vpush v10, $0xB;
	_ =	sdelay $0x1  }
0x19: {  	(v2sf) =	vpush v10, $0xE;
	_ =	sdelay $0x1  }
0x1a: {  	(v2sf) =	vpush v10, $0xA;
	_ =	sdelay $0x1  }
0x1b: {  	(v2sf) =	vpush v10, $0xD;
	_ =	sdelay $0x1  }
0x1c: {  	(v2sf) =	vpush v10, $0x9;
	_ =	sdelay $0x1  }
0x1d: {  	(v2sf) =	vpush v10, $0xC;
	_ =	sdelay $0x1  }
0x1e: {  	(v2sf) =	vpush v10, $0x8;
	_ =	sdelay $0x1  }
0x1f: {  	(v2sf) =	vpush v10, $0x2;
	s26 =	spop (v2sf)  }
0x20: {  	s1 =	spop (v2sf);
	s3 =	smulhi.u32 $0x66666667, s26  }
0x21: {  	(v2sf) =	vpush v10, $0x1;
	s0 =	sshra.s32 s26, $0x1F;
	s5 =	smulhi.u32 $0x66666667, s1  }
0x22: {  	s4 =	spop (v2sf);
	s0 =	smul.u32 $0x66666667, s0  }
0x23: {  	(v2sf) =	vpush v10, $0x0;
	s1 =	sshra.s32 s1, $0x1F;
	s7 =	smulhi.u32 $0x66666667, s4  }
0x24: {  	s6 =	spop (v2sf);
	s1 =	smul.u32 $0x66666667, s1  }
0x25: {  	(v2sf) =	vpush v10, $0x7;
	s4 =	sshra.s32 s4, $0x1F;
	s9 =	smulhi.u32 $0x66666667, s6  }
0x26: {  	s8 =	spop (v2sf);
	s4 =	smul.u32 $0x66666667, s4  }
0x27: {  	s6 =	sshra.s32 s6, $0x1F;
	s11 =	smulhi.u32 $0x66666667, s8  }
0x28: {  	s10 =	spop (v2sf);
	s6 =	smul.u32 $0x66666667, s6  }
0x29: {  	s8 =	sshra.s32 s8, $0x1F;
	s13 =	smulhi.u32 $0x66666667, s10  }
0x2a: {  	s28 =	spop (v2sf);
	s8 =	smul.u32 $0x66666667, s8  }
0x2b: {  	s10 =	sshra.s32 s10, $0x1F;
	s15 =	smulhi.u32 $0x66666667, s28  }
0x2c: {  	s14 =	spop (v2sf);
	s10 =	smul.u32 $0x66666667, s10  }
0x2d: {  	s12 =	sshra.s32 s28, $0x1F;
	s17 =	smulhi.u32 $0x66666667, s14  }
0x2e: {  	s3 =	sadd.s32 s0, s3;
	s16 =	spop (v2sf);
	s12 =	smul.u32 $0x66666667, s12  }
0x2f: {  	(v2sf) =	vpush v10, $0x3;
	s1 =	sadd.s32 s1, s5;
	s14 =	sshra.s32 s14, $0x1F;
	s2 =	smulhi.u32 $0x66666667, s16  }
0x30: {  	(v2sf) =	vpush v10, $0x4;
	s4 =	sadd.s32 s4, s7;
	s18 =	spop (v2sf);
	s14 =	smul.u32 $0x66666667, s14  }
0x31: {  	s6 =	sadd.s32 s6, s9;
	s16 =	sshra.s32 s16, $0x1F;
	s20 =	smulhi.u32 $0x66666667, s18  }
0x32: {  	(v2sf) =	vpush v10, $0x6;
	s8 =	sadd.s32 s8, s11;
	s19 =	spop (v2sf);
	s16 =	smul.u32 $0x66666667, s16  }
0x33: {  	(v2sf) =	vpush v10, $0x5;
	s24 =	sadd.s32 s10, s13;
	s18 =	sshra.s32 s18, $0x1F;
	s22 =	smulhi.u32 $0x66666667, s19  }
0x34: {  	s13 =	sshrl.u32 s8, $0x1F;
	s21 =	spop (v2sf);
	s18 =	smul.u32 $0x66666667, s18  }
0x35: {  	s19 =	sshra.s32 s19, $0x1F;
	s25 =	sadd.s32 s14, s17;
	s23 =	smulhi.u32 $0x66666667, s21  }
0x36: {  	s17 =	sshrl.u32 s24, $0x1F;
	s19 =	smul.u32 $0x66666667, s19;
	s21 =	sshra.s32 s21, $0x1F  }
0x37: {  	s11 =	sshrl.u32 s25, $0x1F;
	s9 =	sshra.s32 s25, $0x3;
	s2 =	sadd.s32 s16, s2  }
0x38: {  	s5 =	smul.u32 $0x66666667, s21;
	s21 =	sadd.s32 s12, s15;
	s18 =	sadd.s32 s18, s20  }
0x39: {  	s10 =	sshrl.u32 s21, $0x1F;
	s26 =	sadd.s32 s19, s22;
	s7 =	sshra.s32 s21, $0x3  }
0x3a: {  	s19 =	sshrl.u32 s4, $0x1F;
	s21 =	sshrl.u32 s6, $0x1F;
	s4 =	sshra.s32 s4, $0x3  }
0x3b: {  	s6 =	sshra.s32 s6, $0x3;
	s22 =	sshrl.u32 s3, $0x1F;
	s25 =	sshra.s32 s18, $0x3  }
0x3c: {  	s0 =	sadd.s32 s5, s23;
	s14 =	sshrl.u32 s26, $0x1F;
	s5 =	sshra.s32 s8, $0x3  }
0x3d: {  	s8 =	sshra.s32 s24, $0x3;
	s24 =	sshra.s32 s26, $0x3;
	s28 =	sshra.s32 s0, $0x1F  }
0x3e: {  	s23 =	sshrl.u32 s18, $0x1F;
	s12 =	sshra.s32 s26, $0x1F;
	s26 =	spop (v2sf);
	v5 =	vmov s28  }
0x3f: {  	vm9 =	vcmask $0x704;
	s18 =	sshra.s32 s18, $0x1F;
	s20 =	smulhi.u32 $0x66666667, s26;
	s28 =	spop (v2sf);
	v5 =	vsel vm3, s24, v5  }
0x40: {  	v6 =	vmov s10;
	s10 =	sshra.s32 s2, $0x3;
	s16 =	sshra.s32 s26, $0x1F;
	s24 =	smulhi.u32 $0x66666667, s28;
	v5 =	vsel vm9, s12, v5  }
0x41: {  	s15 =	spop (v2sf);
	s12 =	smul.u32 $0x66666667, s16;
	v5 =	vsel vm0, s25, v5;
	s25 =	sshra.s32 s28, $0x1F  }
0x42: {  	vm10 =	vcmask $0xF0C;
	v7 =	vmov s11;
	v9 =	vmov s9;
	s26 =	sshra.s32 s2, $0x1F;
	s28 =	spop (v2sf);
	s11 =	smul.u32 $0x66666667, s25  }
0x43: {  	v7 =	vsel vm0, s17, v7;
	v8 =	vmov s7;
	v11 =	vmov s14;
	s14 =	sshrl.u32 s1, $0x1F;
	s2 =	sshrl.u32 s2, $0x1F;
	s17 =	smulhi.u32 $0x66666667, s28  }
0x44: {  	v7 =	vsel vm1, s21, v7;
	v6 =	vsel vm0, s13, v6;
	s1 =	sshra.s32 s1, $0x3;
	v5 =	vsel vm10, s18, v5;
	s13 =	sshra.s32 s28, $0x1F;
	s25 =	smulhi.u32 $0x66666667, s15  }
0x45: {  	v8 =	vsel vm0, s5, v8;
	v6 =	vsel vm1, s19, v6;
	s19 =	sshra.s32 s3, $0x3;
	s16 =	sadd.s32 s12, s20;
	v5 =	vsel vm1, s10, v5;
	s20 =	smul.u32 $0x66666667, s13  }
0x46: {  	v9 =	vsel vm0, s8, v9;
	v8 =	vsel vm1, s4, v8;
	s18 =	sshra.s32 s16, $0x3;
	v5 =	vsel vm13, s26, v5;
	s5 =	sadd.s32 s11, s24;
	s24 =	sshra.s32 s16, $0x1F  }
0x47: {  	v11 =	vnsel vm3, $0x0, v11;
	v9 =	vsel vm1, s6, v9;
	s26 =	sshra.s32 s15, $0x1F;
	v5 =	vsel vm2, s18, v5;
	s28 =	sadd.s32 s20, s17;
	s12 =	sshra.s32 s5, $0x3  }
0x48: {  	v7 =	vsel vm2, s14, v7;
	v11 =	vsel vm0, s23, v11;
	s13 =	smul.u32 $0x66666667, s26;
	s15 =	sshra.s32 s5, $0x1F;
	v5 =	vsel vm14, s24, v5;
	s18 =	sshra.s32 s28, $0x3  }
0x49: {  	v6 =	vsel vm2, s22, v6;
	v8 =	vsel vm2, s19, v8;
	s21 =	sshra.s32 s28, $0x1F;
	s22 =	sshrl.u32 s28, $0x1F;
	s28 =	rddreg [dreg:$0x1a];
	v5 =	vsel vm4, s12, v5  }
0x4a: {  	v9 =	vsel vm2, s1, v9;
	v11 =	vsel vm1, s2, v11;
	s16 =	sshrl.u32 s16, $0x1F;
	s1 =	sadd.s32 $0x1, s28;
	v5 =	vsel vm15, s15, v5  }
0x4b: {  	v6 =	vcombine.low v7, v6;
	v11 =	vsel vm2, s16, v11;
	s20 =	sshrl.u32 s5, $0x1F;
	s17 =	sadd.s32 s13, s25;
	p1 =	seq.s32 s1, $0x0;
	v5 =	vsel vm5, s18, v5  }
.Ltmp0:
0x4c: {  	v7 =	vcombine.low v9, v8;
	v11 =	vsel vm4, s20, v11;
	s23 =	sshra.s32 s17, $0x3;
	v5 =	vsel vm11, s21, v5;
	(pc) =	sbr.rel @p1 .LBB2_2-.Ltmp0, $4  }
0x4d: {  	v11 =	vsel vm5, s22, v11;
	s24 =	sshrl.u32 s17, $0x1F;
	s25 =	sshra.s32 s17, $0x1F;
	v5 =	vsel vm6, s23, v5  }
0x4e: {  	v12 =	vperm.xlane v7, v2;
	s26 =	sshrl.u32 s0, $0x1F;
	s0 =	sshra.s32 s0, $0x3;
	v8 =	vsel vm6, s24, v11;
	v5 =	vsel vm12, s25, v5  }
0x4f: {  	[sflag:s30] =	ssyncset.done $0x0;
	v11 =	vperm.xlane v6, v2;
	v8 =	vsel vm7, s26, v8;
	v5 =	vsel vm7, s0, v5  }
0x50: {  	p0 =	por $0x0, $0x0;
	[sflag:s30] =	ssyncadd.s32 $0xFFFFFB00;
	v13 =	vperm.xlane v8, v3;
	s0 =	simm.s32 $0x10;
	v14 =	vperm.xlane v5, v3  }
0x51: {  	vm10 =	vmmov vm3;
	vm3 =	vgt.s32 v10, $0x0;
	v7 =	vimm.s32 $0x0  }
0x52: {  	v5 =	vsel vm8, v13, v11;
	v6 =	vsel vm8, v14, v12;
	v7 =	vsel vm3, $0xFFFFFFFF, v7  }
0x53: {  	v5 =	vadd.s32 v5, v6;
	v6 =	vmov s29;
	[tilespmem:$0x1FFA0] =	vst v7  }
0x54: {  	v8 =	vshra.s32 v6, $0x1F;
	v6 =	vld [tilespmem:$0x1FFA0];
	_ =	sdelay $0x4  }
0x55: {  	vm3 =	vnez.u8 v6  }
0x56: {  	v7 =	vmul.u32 $0xFFFFFFEC, v5;
	v9 =	vsel vm3, $0x1, v4  }
0x57: {  	vm3 =	vmmov vm10;
	v9 =	vadd.s32 v9, v8  }
0x58: {  	v8 =	vadd.s32 v10, v7;
	v7 =	vimm.s32 $0x0;
	vm10 =	vne.s32 v9, $0x1  }
0x59: {  	v7 =	vsel vm10, $0xFFFFFFFF, v7  }
0x5a: {  	vm10 =	vne.s32 v8, $0x0;
	[tilespmem:$0x1FFC0] =	vst v7;
	v7 =	vimm.s32 $0x0  }
0x5b: {  	v7 =	vsel vm10, $0xFFFFFFFF, v7  }
0x5c: {  	[tilespmem:$0x1FFB0] =	vst v7  }
0x5d: {  	v7 =	vld [tilespmem:$0x1FFB0];
	_ =	sdelay $0x4  }
0x5e: {  	vm10 =	vnez.u8 v7;
	v7 =	vld [tilespmem:$0x1FFC0];
	_ =	sdelay $0x3  }
0x5f: {  	v6 =	vor.u32 s0, v1  }
0x60: {  	vm9 =	vmmov vm5;
	(v2sf) =	vpush v6, $0xF;
	vm5 =	vnez.u8 v7  }
0x61: {  	(v2sf) =	vpush v6, $0xB;
	vm10 =	vmand vm10, vm5  }
0x62: {  	(v2sf) =	vpush v6, $0xE;
	v7 =	vsel vm10, $0xFFFFFFFF, v4  }
0x63: {  	(v2sf) =	vpush v6, $0xA;
	v5 =	vadd.s32 v7, v5  }
0x64: {  	(v2sf) =	vpush v5, $0xF  }
0x65: {  	(v2sf) =	vpush v5, $0xB;
	_ =	sdelay $0x1  }
0x66: {  	(v2sf) =	vpush v5, $0x6;
	_ =	sdelay $0x3  }
0x67: {  	(v2sf) =	vpush v5, $0xE  }
0x68: {  	(v2sf) =	vpush v5, $0xA;
	_ =	sdelay $0x1  }
0x69: {  	(v2sf) =	vpush v5, $0xD  }
0x6a: {  	s17 =	spop (v2sf)  }
0x6b: {  	s16 =	spop (v2sf);
	(v2sf) =	vpush v5, $0x9  }
0x6c: {  	s15 =	spop (v2sf)  }
0x6d: {  	s19 =	spop (v2sf);
	(v2sf) =	vpush v5, $0x5  }
0x6e: {  	s30 =	spop (v2sf)  }
0x6f: {  	(v2sf) =	vpush v5, $0xC;
	s2 =	smulhi.u32 $0x66666667, s30;
	s3 =	spop (v2sf)  }
0x70: {  	[dreg:$0x1c] =	wrdreg s1;
	s1 =	sshra.s32 s30, $0x1F;
	s4 =	smulhi.u32 $0x66666667, s3  }
0x71: {  	(v2sf) =	vpush v5, $0x8;
	s5 =	spop (v2sf);
	s1 =	smul.u32 $0x66666667, s1  }
0x72: {  	s3 =	sshra.s32 s3, $0x1F;
	s6 =	smulhi.u32 $0x66666667, s5  }
0x73: {  	s3 =	smul.u32 $0x66666667, s3;
	s5 =	sshra.s32 s5, $0x1F  }
0x74: {  	(v2sf) =	vpush v5, $0x4;
	s18 =	smul.u32 $0x66666667, s5  }
0x75: {  	[dreg:$0x1d] =	wrdreg s6;
	s6 =	spop (v2sf)  }
0x76: {  	(v2sf) =	vpush v5, $0x3;
	s14 =	smulhi.u32 $0x66666667, s6;
	s7 =	spop (v2sf)  }
0x77: {  	s6 =	sshra.s32 s6, $0x1F;
	s25 =	smulhi.u32 $0x66666667, s7  }
0x78: {  	(v2sf) =	vpush v5, $0x2;
	s9 =	spop (v2sf);
	s6 =	smul.u32 $0x66666667, s6  }
0x79: {  	s7 =	sshra.s32 s7, $0x1F;
	s10 =	smulhi.u32 $0x66666667, s9  }
0x7a: {  	(v2sf) =	vpush v5, $0x1;
	s11 =	spop (v2sf);
	s8 =	sshra.s32 s9, $0x1F;
	s9 =	smul.u32 $0x66666667, s7  }
0x7b: {  	(v2sf) =	vpush v5, $0x0;
	s12 =	smulhi.u32 $0x66666667, s11  }
0x7c: {  	s20 =	spop (v2sf);
	s7 =	smul.u32 $0x66666667, s8  }
0x7d: {  	(v2sf) =	vpush v5, $0x7;
	s13 =	sshra.s32 s11, $0x1F;
	s21 =	smulhi.u32 $0x66666667, s20  }
0x7e: {  	s22 =	spop (v2sf);
	s11 =	smul.u32 $0x66666667, s13  }
0x7f: {  	s20 =	sshra.s32 s20, $0x1F;
	s24 =	smulhi.u32 $0x66666667, s22  }
0x80: {  	s23 =	spop (v2sf);
	s28 =	sshra.s32 s22, $0x1F;
	s22 =	smul.u32 $0x66666667, s20  }
0x81: {  	s26 =	smulhi.u32 $0x66666667, s23  }
0x82: {  	s20 =	smul.u32 $0x66666667, s28;
	s30 =	sshra.s32 s23, $0x1F  }
0x83: {  	s0 =	spop (v2sf);
	s28 =	smul.u32 $0x66666667, s30  }
0x84: {  	s6 =	sadd.s32 s6, s14;
	s29 =	smulhi.u32 $0x66666667, s0;
	s8 =	sshra.s32 s0, $0x1F  }
0x85: {  	s23 =	sadd.s32 s1, s2;
	s13 =	spop (v2sf);
	s30 =	smul.u32 $0x66666667, s8  }
0x86: {  	s11 =	sadd.s32 s11, s12;
	s1 =	smulhi.u32 $0x66666667, s13;
	s5 =	sshra.s32 s13, $0x1F  }
0x87: {  	s14 =	sadd.s32 s20, s24;
	s0 =	spop (v2sf);
	s8 =	smul.u32 $0x66666667, s5  }
0x88: {  	s5 =	simm.s32 $0x10;
	s26 =	sadd.s32 s28, s26;
	s31 =	smulhi.u32 $0x66666667, s0  }
0x89: {  	s13 =	spop (v2sf);
	s2 =	sshra.s32 s0, $0x1F;
	[dreg:$0x3] =	wrdreg s5  }
0x8a: {  	s5 =	sadd.s32 s3, s4;
	s0 =	spop (v2sf);
	s3 =	smul.u32 $0x66666667, s2  }
0x8b: {  	s4 =	sadd.s32 s7, s10;
	s20 =	smulhi.u32 $0x66666667, s0;
	s0 =	sshra.s32 s0, $0x1F  }
0x8c: {  	s7 =	sadd.s32 s9, s25;
	s28 =	smul.u32 $0x66666667, s0;
	s2 =	spop (v2sf)  }
0x8d: {  	s25 =	sadd.s32 s22, s21;
	s10 =	smulhi.u32 $0x66666667, s2;
	s2 =	sshra.s32 s2, $0x1F  }
0x8e: {  	s22 =	sshrl.u32 s26, $0x1F;
	s21 =	sshra.s32 s26, $0x3;
	s9 =	smul.u32 $0x66666667, s2  }
0x8f: {  	s24 =	smulhi.u32 $0x66666667, s13;
	s13 =	sshra.s32 s13, $0x1F;
	s26 =	sshrl.u32 s4, $0x1F  }
0x90: {  	s12 =	sadd.s32 s28, s20;
	s28 =	sshra.s32 s4, $0x3;
	s0 =	sadd.s32 s9, s10  }
0x91: {  	s2 =	sadd.s32 s30, s29;
	s30 =	smul.u32 $0x66666667, s13;
	s4 =	sshra.s32 s0, $0x1F  }
0x92: {  	vm5 =	vmmov vm9;
	vm9 =	vcmask $0x704;
	s13 =	sshrl.u32 s14, $0x1F;
	s20 =	sshra.s32 s12, $0x3;
	v7 =	vmov s4  }
0x93: {  	vm10 =	vcmask $0xF0C;
	v10 =	vmov s22;
	s14 =	sshra.s32 s14, $0x3;
	s10 =	sadd.s32 s30, s24;
	s24 =	sshra.s32 s12, $0x1F;
	v7 =	vsel vm3, s20, v7  }
0x94: {  	v13 =	vmov s21;
	s29 =	sshrl.u32 s11, $0x1F;
	v11 =	vmov s14;
	s14 =	sshra.s32 s10, $0x3;
	v7 =	vsel vm9, s24, v7  }
0x95: {  	s11 =	sshra.s32 s11, $0x3;
	v9 =	vmov s13;
	v10 =	vsel vm0, s29, v10;
	s9 =	sadd.s32 s3, s31;
	s22 =	sshra.s32 s10, $0x1F;
	v7 =	vsel vm0, s14, v7  }
0x96: {  	s8 =	sadd.s32 s8, s1;
	v13 =	vsel vm0, s11, v13;
	s12 =	sshrl.u32 s12, $0x1F;
	v9 =	vsel vm0, s26, v9;
	s24 =	sshra.s32 s9, $0x3;
	v7 =	vsel vm10, s22, v7  }
0x97: {  	s13 =	sshra.s32 s6, $0x3;
	s30 =	sshrl.u32 s6, $0x1F;
	v11 =	vsel vm0, s28, v11;
	v12 =	vmov s12;
	s12 =	sshra.s32 s9, $0x1F;
	v7 =	vsel vm1, s24, v7  }
0x98: {  	s28 =	sshra.s32 s7, $0x3;
	s10 =	sshrl.u32 s10, $0x1F;
	v9 =	vsel vm1, s30, v9;
	s30 =	sshra.s32 s8, $0x3;
	v11 =	vsel vm1, s13, v11;
	v7 =	vsel vm13, s12, v7  }
0x99: {  	s13 =	sshra.s32 s8, $0x1F;
	v13 =	vsel vm1, s28, v13;
	s28 =	sshra.s32 s2, $0x3;
	v12 =	vnsel vm3, $0x0, v12;
	s14 =	sshrl.u32 s7, $0x1F;
	v7 =	vsel vm2, s30, v7  }
0x9a: {  	s8 =	sshrl.u32 s8, $0x1F;
	v12 =	vsel vm0, s10, v12;
	s9 =	sshrl.u32 s9, $0x1F;
	v10 =	vsel vm1, s14, v10;
	s30 =	sshrl.u32 s5, $0x1F;
	v7 =	vsel vm14, s13, v7  }
0x9b: {  	v12 =	vsel vm1, s9, v12;
	s14 =	sshrl.u32 s23, $0x1F;
	s23 =	sshra.s32 s23, $0x3;
	v10 =	vsel vm2, s30, v10;
	s30 =	sshra.s32 s2, $0x1F;
	v7 =	vsel vm4, s28, v7  }
0x9c: {  	v12 =	vsel vm2, s8, v12;
	v9 =	vsel vm2, s14, v9;
	s14 =	rddreg [dreg:$0x1d];
	s12 =	sshra.s32 s25, $0x3;
	s5 =	sshra.s32 s5, $0x3;
	v7 =	vsel vm15, s30, v7  }
0x9d: {  	v11 =	vsel vm2, s23, v11;
	s23 =	sshra.s32 s25, $0x1F;
	s18 =	sadd.s32 s18, s14;
	s13 =	sshrl.u32 s2, $0x1F;
	v13 =	vsel vm2, s5, v13;
	v7 =	vsel vm5, s12, v7  }
0x9e: {  	v9 =	vcombine.low v10, v9;
	v10 =	vsel vm4, s13, v12;
	s28 =	sshrl.u32 s25, $0x1F;
	s30 =	sshra.s32 s18, $0x3;
	v7 =	vsel vm11, s23, v7  }
0x9f: {  	v11 =	vcombine.low v13, v11;
	s13 =	sshra.s32 s18, $0x1F;
	v10 =	vsel vm5, s28, v10;
	s12 =	sshrl.u32 s18, $0x1F;
	v7 =	vsel vm6, s30, v7  }
0xa0: {  	s14 =	sshrl.u32 s0, $0x1F;
	s0 =	sshra.s32 s0, $0x3;
	v9 =	vperm.xlane v9, v2;
	v10 =	vsel vm6, s12, v10;
	v7 =	vsel vm12, s13, v7  }
0xa1: {  	v11 =	vperm.xlane v11, v2;
	v10 =	vsel vm7, s14, v10;
	v7 =	vsel vm7, s0, v7  }
0xa2: {  	(v2sf) =	vpush v6, $0xD;
	v10 =	vperm.xlane v10, v3;
	v7 =	vperm.xlane v7, v3  }
0xa3: {  	(v2sf) =	vpush v6, $0x9  }
0xa4: {  	(v2sf) =	vpush v6, $0xC;
	v9 =	vsel vm8, v10, v9;
	v7 =	vsel vm8, v7, v11  }
0xa5: {  	(v2sf) =	vpush v6, $0x8;
	v7 =	vadd.s32 v9, v7  }
0xa6: {  	v9 =	vmul.u32 $0xFFFFFFEC, v7  }
0xa7: {  	vm10 =	vlt.s32 v5, $0x1;
	v10 =	vsub.s32 $0x0, v5;
	v11 =	vimm.s32 $0x0  }
0xa8: {  	v11 =	vsel vm10, $0xFFFFFFFF, v11;
	vm10 =	vne.s32 v9, v10;
	v9 =	vimm.s32 $0x0  }
0xa9: {  	(v2sf) =	vpush v6, $0x2;
	v9 =	vsel vm10, $0xFFFFFFFF, v9  }
0xaa: {  	(v2sf) =	vpush v6, $0x1;
	[tilespmem:$0x1FFD0] =	vst v9  }
0xab: {  	(v2sf) =	vpush v6, $0x0;
	v9 =	vld [tilespmem:$0x1FFD0]  }
0xac: {  	(v2sf) =	vpush v6, $0x7  }
0xad: {  	s1 =	smulhi.u32 $0x66666667, s17  }
0xae: {  	s21 =	smulhi.u32 $0x66666667, s15;
	s15 =	sshra.s32 s15, $0x1F  }
0xaf: {  	s15 =	smul.u32 $0x66666667, s15;
	[tilespmem:$0x1FFE0] =	vst v11  }
0xb0: {  	s20 =	smulhi.u32 $0x66666667, s16;
	s16 =	sshra.s32 s16, $0x1F;
	vm10 =	vnez.u8 v9;
	v9 =	vld [tilespmem:$0x1FFE0]  }
0xb1: {  	s4 =	spop (v2sf);
	s16 =	smul.u32 $0x66666667, s16  }
0xb2: {  	s3 =	spop (v2sf);
	s9 =	smulhi.u32 $0x66666667, s4  }
0xb3: {  	s4 =	sshra.s32 s4, $0x1F;
	s6 =	spop (v2sf);
	s22 =	smulhi.u32 $0x66666667, s19  }
0xb4: {  	s4 =	smul.u32 $0x66666667, s4;
	s26 =	spop (v2sf)  }
0xb5: {  	vm9 =	vmmov vm4;
	s8 =	smulhi.u32 $0x66666667, s26;
	vm4 =	vnez.u8 v9  }
0xb6: {  	s17 =	sshra.s32 s17, $0x1F;
	s2 =	smulhi.u32 $0x66666667, s3;
	vm10 =	vmand vm4, vm10  }
0xb7: {  	s15 =	sadd.s32 s15, s21;
	s5 =	smulhi.u32 $0x66666667, s6;
	s3 =	sshra.s32 s3, $0x1F;
	v9 =	vsel vm10, $0xFFFFFFFF, v4  }
0xb8: {  	s24 =	spop (v2sf);
	s6 =	sshra.s32 s6, $0x1F;
	s25 =	smul.u32 $0x66666667, s3;
	vm10 =	vlt.s32 v8, $0x0;
	v7 =	vadd.s32 v9, v7;
	v9 =	vimm.s32 $0x0  }
0xb9: {  	s29 =	simm.s32 $0x0;
	s7 =	spop (v2sf);
	s6 =	smul.u32 $0x66666667, s6;
	v9 =	vsel vm10, $0xFFFFFFFF, v9  }
0xba: {  	s31 =	simm.s32 $0x500;
	(v2sf) =	vpush v6, $0x3;
	s11 =	spop (v2sf);
	s18 =	smulhi.u32 $0x66666667, s24;
	[tilespmem:$0x1FFF0] =	vst v9  }
0xbb: {  	s9 =	sadd.s32 s4, s9;
	s10 =	spop (v2sf);
	s12 =	smulhi.u32 $0x66666667, s11;
	v11 =	vld [tilespmem:$0x1FFF0]  }
0xbc: {  	s28 =	sshra.s32 s26, $0x1F;
	s11 =	sshra.s32 s11, $0x1F;
	s14 =	smulhi.u32 $0x66666667, s10  }
0xbd: {  	s5 =	sadd.s32 s6, s5;
	s2 =	sadd.s32 s25, s2;
	s11 =	smul.u32 $0x66666667, s11  }
0xbe: {  	s25 =	sshrl.u32 s15, $0x1F;
	s23 =	sshra.s32 s19, $0x1F;
	s13 =	smul.u32 $0x66666667, s17  }
0xbf: {  	(v2sf) =	vpush v6, $0x4;
	s21 =	sshrl.u32 s5, $0x1F;
	s30 =	sshra.s32 s24, $0x1F;
	s17 =	smul.u32 $0x66666667, s23  }
0xc0: {  	s5 =	sshra.s32 s5, $0x3;
	s10 =	sshra.s32 s10, $0x1F;
	s4 =	smul.u32 $0x66666667, s30;
	v10 =	vmul.u32 $0x14, v7;
	v9 =	vadd.s32 $0x14, v8;
	vm10 =	vnez.u8 v11  }
0xc1: {  	s24 =	sshrl.u32 s2, $0x1F;
	s2 =	sshra.s32 s2, $0x3;
	s10 =	smul.u32 $0x66666667, s10;
	v8 =	vsel vm10, v9, v8  }
0xc2: {  	(v2sf) =	vpush v6, $0x6;
	s30 =	sshra.s32 s15, $0x3;
	s0 =	smulhi.u32 $0x66666667, s7;
	s7 =	sshra.s32 s7, $0x1F;
	v9 =	vadd.s32 v8, v10;
	v10 =	vshll.u32 v5, $0x3  }
0xc3: {  	(v2sf) =	vpush v6, $0x5;
	s11 =	sadd.s32 s11, s12;
	s3 =	sadd.s32 s13, s1;
	s13 =	smul.u32 $0x66666667, s28;
	v9 =	vshll.u32 v9, $0x3  }
0xc4: {  	s1 =	sadd.s32 s16, s20;
	s7 =	smul.u32 $0x66666667, s7;
	s17 =	sadd.s32 s17, s22;
	v11 =	vor.u32 $0x2, v10  }
0xc5: {  	v14 =	vmov s21;
	v16 =	vmov s5;
	s14 =	sadd.s32 s10, s14;
	s22 =	sshrl.u32 s9, $0x1F;
	s12 =	sshrl.u32 s11, $0x1F;
	v13 =	vor.u32 $0x1, v10  }
0xc6: {  	s9 =	sshra.s32 s9, $0x3;
	s26 =	sshra.s32 s11, $0x3;
	s23 =	sshra.s32 s14, $0x1F;
	v14 =	vsel vm0, s22, v14;
	v21 =	vmov s12;
	v17 =	vor.u32 $0x3, v10  }
0xc7: {  	s4 =	sadd.s32 s4, s18;
	s28 =	sshrl.u32 s17, $0x1F;
	v16 =	vsel vm0, s9, v16;
	s20 =	sadd.s32 s13, s8;
	v22 =	vmov s23;
	v12 =	vor.u32 $0x1, v9;
	v10 =	vld.idx.msk [tilespmem:v10+s29+$0x0], $0xffff  }
0xc8: {  	s15 =	sshrl.u32 s3, $0x1F;
	s19 =	sshrl.u32 s1, $0x1F;
	v14 =	vsel vm1, s25, v14;
	v16 =	vsel vm1, s30, v16;
	s13 =	sshrl.u32 s20, $0x1F;
	v19 =	vor.u32 $0x2, v9;
	v18 =	vld.idx.msk [tilespmem:v9+s31+$0x0], $0xffff  }
0xc9: {  	s3 =	sshra.s32 s3, $0x3;
	s22 =	spop (v2sf);
	v21 =	vnsel vm3, $0x0, v21;
	s6 =	sshra.s32 s20, $0x3;
	v22 =	vsel vm3, s26, v22;
	v15 =	vmov s13;
	v11 =	vld.idx.msk [tilespmem:v11+s29+$0x0], $0xffff  }
0xca: {  	s0 =	sadd.s32 s7, s0;
	v20 =	vmov s6;
	s13 =	sshra.s32 s17, $0x3;
	s17 =	sshra.s32 s11, $0x1F;
	vm4 =	vmmov vm9;
	vm9 =	vcmask $0x704;
	v13 =	vld.idx.msk [tilespmem:v13+s29+$0x0], $0xffff  }
0xcb: {  	s20 =	sshra.s32 s0, $0x3;
	s6 =	sshra.s32 s22, $0x1F;
	v15 =	vsel vm0, s24, v15;
	s24 =	smulhi.u32 $0x66666667, s22;
	v22 =	vsel vm9, s17, v22;
	v9 =	vor.u32 $0x3, v9;
	v17 =	vld.idx.msk [tilespmem:v17+s29+$0x0], $0xffff  }
0xcc: {  	s16 =	sshrl.u32 s0, $0x1F;
	s0 =	sshra.s32 s0, $0x1F;
	v14 =	vsel vm2, s15, v14;
	s26 =	smul.u32 $0x66666667, s6;
	vm9 =	vcmask $0xF0C;
	v22 =	vsel vm0, s20, v22;
	v12 =	vld.idx.msk [tilespmem:v12+s31+$0x0], $0xffff  }
0xcd: {  	s1 =	sshra.s32 s1, $0x3;
	s21 =	sshrl.u32 s4, $0x1F;
	s23 =	sshra.s32 s4, $0x3;
	v16 =	vsel vm2, s3, v16;
	v21 =	vsel vm0, s16, v21;
	v22 =	vsel vm9, s0, v22;
	v19 =	vld.idx.msk [tilespmem:v19+s31+$0x0], $0xffff  }
0xce: {  	s25 =	sshra.s32 s4, $0x1F;
	v20 =	vsel vm0, s2, v20;
	v15 =	vsel vm1, s28, v15;
	s28 =	spop (v2sf);
	s9 =	sadd.s32 s26, s24;
	v22 =	vsel vm1, s23, v22  }
0xcf: {  	v21 =	vsel vm1, s21, v21;
	v20 =	vsel vm1, s13, v20;
	s30 =	smulhi.u32 $0x66666667, s28;
	s6 =	sshra.s32 s28, $0x1F;
	s13 =	sshra.s32 s9, $0x3;
	v22 =	vsel vm13, s25, v22  }
0xd0: {  	v15 =	vsel vm2, s19, v15;
	v20 =	vsel vm2, s1, v20;
	s10 =	smul.u32 $0x66666667, s6;
	s15 =	sshra.s32 s9, $0x1F;
	v22 =	vsel vm2, s13, v22;
	v9 =	vld.idx.msk [tilespmem:v9+s31+$0x0], $0xffff  }
0xd1: {  	s8 =	spop (v2sf);
	v60 =	vsel vm14, s15, v22;
	v23 =	vsub.f32 v11, v10;
	v24 =	vsub.f32 v17, v13  }
0xd2: {  	s1 =	sadd.s32 s10, s30;
	s11 =	spop (v2sf);
	v10 =	vmax.f32 v10, v18;
	v18 =	vsub.f32 v19, v18;
	v13 =	vmax.f32 v13, v12  }
0xd3: {  	s12 =	smulhi.u32 $0x66666667, s11;
	s2 =	sshra.s32 s11, $0x1F;
	s0 =	sshrl.u32 s9, $0x1F;
	v12 =	vsub.f32 v19, v12;
	v11 =	vmin.f32 v11, v19;
	v23 =	vadd.f32 $1.000000000e+00, v23  }
0xd4: {  	s30 =	rddreg [dreg:$0x1c];
	s16 =	sshra.s32 s1, $0x3;
	s2 =	smul.u32 $0x66666667, s2;
	v61 =	vadd.f32 $1.000000000e+00, v24;
	v10 =	vsub.f32 v11, v10;
	v11 =	vsel vm2, s0, v21  }
0xd5: {  	s18 =	smulhi.u32 $0x66666667, s8;
	s19 =	sshra.s32 s8, $0x1F;
	s21 =	sshrl.u32 s1, $0x1F;
	v18 =	vadd.f32 $1.000000000e+00, v18;
	v12 =	vadd.f32 $1.000000000e+00, v12;
	v9 =	vmin.f32 v17, v9  }
0xd6: {  	s4 =	smul.u32 $0x66666667, s19;
	s2 =	sadd.s32 s2, s12;
	s17 =	sshra.s32 s1, $0x1F;
	v11 =	vsel vm4, s21, v11;
	v62 =	vmul.f32 v61, v23;
	v9 =	vsub.f32 v9, v13  }
0xd7: {  	s20 =	sshra.s32 s2, $0x3;
	s23 =	sshra.s32 s2, $0x1F;
	s2 =	sshrl.u32 s2, $0x1F;
	v10 =	vmax.f32 v10, $0.0e+00;
	v17 =	vsel vm4, s16, v60;
	v12 =	vmul.f32 v12, v18  }
0xd8: {  	s22 =	sadd.s32 s4, s18;
	v11 =	vsel vm5, s2, v11;
	s2 =	sadd.s32 $0x1, s30;
	v17 =	vsel vm15, s17, v17;
	v9 =	vmax.f32 v9, $0.0e+00  }
0xd9: {  	s25 =	sshrl.u32 s22, $0x1F;
	p1 =	seq.s32 s2, $0x0;
	v13 =	vsel vm5, s20, v17;
	v9 =	vmul.f32 v9, v10;
	v10 =	vadd.f32 v12, v62  }
.Ltmp1:
0xda: {  	s24 =	sshra.s32 s22, $0x3;
	v11 =	vsel vm6, s25, v11;
	v12 =	vsel vm11, s23, v13;
	v13 =	vcombine.low v15, v14;
	(pc) =	sbr.rel @p1 .LBB2_4-.Ltmp1, $4  }
0xdb: {  	s26 =	sshrl.u32 s14, $0x1F;
	s1 =	sshra.s32 s22, $0x1F;
	v14 =	vcombine.low v20, v16;
	v12 =	vsel vm6, s24, v12;
	v10 =	vsub.f32 v10, v9  }
0xdc: {  	s28 =	sshra.s32 s14, $0x3;
	v63 =	vsel vm7, s26, v11;
	v15 =	vsel vm12, s1, v12;
	v11 =	vperm.xlane v13, v2  }
0xdd: {  	v12 =	vperm.xlane v14, v2;
	(erf) = vrcp.f32 v10;
	v10 =	vsel vm7, s28, v15  }
0xde: {  	p0 =	por $0x1, $0x1;
	s0 =	simm.s32 $0x20;
	v13 =	vperm.xlane v63, v3;
	v14 =	vperm.xlane v10, v3  }
.LBB2_5:
0xdf: {  	_ = 	snop  }
0xe0: {  	v11 =	vsel vm8, v13, v11;
	v12 =	vsel vm8, v14, v12  }
0xe1: {  	v10 =	vor.u32 s0, v1;
	vm9 =	vgt.s32 v6, $0x0;
	v11 =	vadd.s32 v11, v12  }
0xe2: {  	s9 =	rddreg [dreg:$0x3];
	v5 =	vmul.u32 $0x18, v5;
	v16 =	vand.u32 $0x7, v8;
	v12 =	vmul.u32 $0xFFFFFFEC, v11  }
0xe3: {  	v15 =	vmov s9;
	(v2sf) =	vpush v10, $0xF;
	v14 =	vand.u32 $0xFFFFFFF8, v8  }
0xe4: {  	v13 =	vshra.s32 v15, $0x1F;
	v15 =	vsel vm9, $0x1, v4;
	v8 =	vadd.s32 v6, v12;
	v6 =	vmovc v10  }
0xe5: {  	v13 =	vadd.s32 v15, v13;
	(v2sf) =	vpush v6, $0xB  }
0xe6: {  	vm9 =	vne.s32 v13, $0x1;
	vm10 =	vne.s32 v8, $0x0;
	(v2sf) =	vpush v6, $0xE  }
0xe7: {  	v14 =	vadd.s32 v14, v5;
	v5 =	vpop (erf);
	vm9 =	vmand vm10, vm9  }
0xe8: {  	v9 =	vmul.f32 v5, v9;
	v5 =	vsel vm9, $0xFFFFFFFF, v4  }
0xe9: {  	(v2sf) =	vpush v6, $0xA;
	v5 =	vadd.s32 v5, v11  }
0xea: {  	(v2sf) =	vpush v5, $0xF;
	_ =	sdelay $0x2  }
0xeb: {  	(v2sf) =	vpush v5, $0xB  }
0xec: {  	(v2sf) =	vpush v5, $0x6;
	_ =	sdelay $0x1  }
0xed: {  	[dreg:$0x5] =	wrdreg s0;
	(v2sf) =	vpush v5, $0xE  }
0xee: {  	s1 =	rddreg [dreg:$0x5]  }
0xef: {  	[dreg:$0x4] =	wrdreg s2;
	s10 =	smov.u32 s1;
	(v2sf) =	vpush v5, $0xA;
	s12 =	spop (v2sf)  }
0xf0: {  	[dreg:$0x3] =	wrdreg s10;
	s0 =	smulhi.u32 $0x66666667, s12  }
0xf1: {  	(v2sf) =	vpush v5, $0xD;
	[dreg:$0xd] =	wrdreg s12;
	s13 =	spop (v2sf)  }
0xf2: {  	[dreg:$0x7] =	wrdreg s0;
	s15 =	spop (v2sf)  }
0xf3: {  	(v2sf) =	vpush v5, $0x9;
	[dreg:$0xa] =	wrdreg s13;
	s0 =	smulhi.u32 $0x66666667, s15  }
0xf4: {  	s14 =	smulhi.u32 $0x66666667, s13;
	[dreg:$0xc] =	wrdreg s15  }
0xf5: {  	(v2sf) =	vpush v5, $0x5;
	s16 =	spop (v2sf);
	[dreg:$0x6] =	wrdreg s0  }
0xf6: {  	s0 =	smulhi.u32 $0x66666667, s16;
	s9 =	spop (v2sf)  }
0xf7: {  	(v2sf) =	vpush v5, $0xC;
	[dreg:$0x8] =	wrdreg s14;
	s17 =	smulhi.u32 $0x66666667, s9;
	s9 =	sshra.s32 s9, $0x1F  }
0xf8: {  	[dreg:$0xb] =	wrdreg s16;
	s9 =	smul.u32 $0x66666667, s9  }
0xf9: {  	(v2sf) =	vpush v5, $0x8;
	[dreg:$0x11] =	wrdreg s17;
	s17 =	spop (v2sf)  }
0xfa: {  	s18 =	smulhi.u32 $0x66666667, s17;
	s24 =	spop (v2sf)  }
0xfb: {  	(v2sf) =	vpush v5, $0x4;
	[dreg:$0x9] =	wrdreg s0;
	s17 =	sshra.s32 s17, $0x1F;
	s19 =	smulhi.u32 $0x66666667, s24  }
0xfc: {  	s25 =	spop (v2sf);
	s6 =	smul.u32 $0x66666667, s17  }
0xfd: {  	(v2sf) =	vpush v5, $0x3;
	s0 =	sshra.s32 s24, $0x1F;
	[dreg:$0x12] =	wrdreg s18;
	s20 =	smulhi.u32 $0x66666667, s25  }
0xfe: {  	(v2sf) =	vpush v5, $0x2;
	s26 =	spop (v2sf);
	s2 =	smul.u32 $0x66666667, s0  }
0xff: {  	s1 =	sshra.s32 s25, $0x1F;
	[dreg:$0xe] =	wrdreg s19;
	s21 =	smulhi.u32 $0x66666667, s26  }
0x100: {  	s28 =	spop (v2sf);
	s24 =	smul.u32 $0x66666667, s1  }
0x101: {  	s4 =	sshra.s32 s26, $0x1F;
	[dreg:$0x13] =	wrdreg s20;
	s7 =	smulhi.u32 $0x66666667, s28  }
0x102: {  	(v2sf) =	vpush v5, $0x1;
	s29 =	spop (v2sf);
	s26 =	smul.u32 $0x66666667, s4  }
0x103: {  	(v2sf) =	vpush v5, $0x0;
	[dreg:$0xf] =	wrdreg s2;
	s5 =	sshra.s32 s28, $0x1F;
	s22 =	smulhi.u32 $0x66666667, s29  }
0x104: {  	v12 =	vor.u32 v16, v14;
	s30 =	spop (v2sf);
	s25 =	smul.u32 $0x66666667, s5  }
0x105: {  	(v2sf) =	vpush v5, $0x7;
	[dreg:$0x14] =	wrdreg s21;
	s28 =	sshra.s32 s29, $0x1F;
	s15 =	smulhi.u32 $0x66666667, s30  }
0x106: {  	v7 =	vadd.s32 v0, v7;
	s11 =	simm.s32 $0xA00;
	s19 =	spop (v2sf);
	s28 =	smul.u32 $0x66666667, s28  }
0x107: {  	vm9 =	veq.s32 v7, $0xF8;
	s30 =	sshra.s32 s30, $0x1F;
	[dreg:$0x15] =	wrdreg s22;
	s8 =	smulhi.u32 $0x66666667, s19  }
0x108: {  	v7 =	vsel vm9, $0x0, v9;
	s20 =	spop (v2sf);
	s19 =	sshra.s32 s19, $0x1F;
	s30 =	smul.u32 $0x66666667, s30  }
0x109: {  	[tilespmem:v12+s11+$0x0] =	vst.idx.msk $0xffff, v7;
	s25 =	sadd.s32 s25, s7;
	s7 =	rddreg [dreg:$0x13];
	s11 =	smulhi.u32 $0x66666667, s20  }
0x10a: {  	s21 =	spop (v2sf);
	s5 =	smul.u32 $0x66666667, s19;
	s0 =	sshra.s32 s20, $0x1F  }
0x10b: {  	s24 =	sadd.s32 s24, s7;
	s7 =	rddreg [dreg:$0x14];
	s10 =	smulhi.u32 $0x66666667, s21  }
0x10c: {  	s22 =	spop (v2sf);
	s20 =	smul.u32 $0x66666667, s0;
	s1 =	sshra.s32 s21, $0x1F  }
0x10d: {  	s7 =	sadd.s32 s26, s7;
	s23 =	smulhi.u32 $0x66666667, s22;
	s14 =	spop (v2sf)  }
0x10e: {  	s2 =	sshra.s32 s22, $0x1F;
	s4 =	smul.u32 $0x66666667, s1;
	s26 =	sadd.s32 s5, s8  }
0x10f: {  	s8 =	rddreg [dreg:$0x15];
	s13 =	smulhi.u32 $0x66666667, s14;
	s14 =	sshra.s32 s14, $0x1F  }
0x110: {  	s17 =	smul.u32 $0x66666667, s2;
	s28 =	sadd.s32 s28, s8;
	[dreg:$0x10] =	wrdreg s23  }
0x111: {  	(v2sf) =	vpush v6, $0xD;
	s8 =	sadd.s32 s30, s15;
	s23 =	spop (v2sf);
	s1 =	smul.u32 $0x66666667, s14  }
0x112: {  	(v2sf) =	vpush v6, $0x9;
	s11 =	sadd.s32 s20, s11;
	s12 =	smulhi.u32 $0x66666667, s23;
	s31 =	spop (v2sf)  }
0x113: {  	(v2sf) =	vpush v6, $0xC;
	s15 =	sshra.s32 s26, $0x3;
	s23 =	sshra.s32 s23, $0x1F;
	s16 =	smulhi.u32 $0x66666667, s31  }
0x114: {  	(v2sf) =	vpush v6, $0x8;
	s30 =	sshrl.u32 s28, $0x1F;
	s3 =	spop (v2sf);
	s2 =	smul.u32 $0x66666667, s23  }
0x115: {  	v11 =	vmov s15;
	(v2sf) =	vpush v6, $0x2;
	s15 =	rddreg [dreg:$0x10];
	s31 =	sshra.s32 s31, $0x1F;
	s18 =	smulhi.u32 $0x66666667, s3  }
0x116: {  	(v2sf) =	vpush v6, $0x1;
	s5 =	sadd.s32 s1, s13;
	s13 =	sshrl.u32 s11, $0x1F;
	s0 =	smul.u32 $0x66666667, s31  }
0x117: {  	s3 =	sshra.s32 s3, $0x1F;
	s31 =	rddreg [dreg:$0x11];
	v10 =	vmov s13;
	s13 =	sshrl.u32 s24, $0x1F  }
0x118: {  	s9 =	sadd.s32 s9, s31;
	s31 =	rddreg [dreg:$0x12];
	s2 =	sadd.s32 s2, s12  }
0x119: {  	s31 =	sadd.s32 s6, s31;
	s6 =	smul.u32 $0x66666667, s3;
	s3 =	sadd.s32 s4, s10  }
0x11a: {  	s0 =	sadd.s32 s0, s16;
	s10 =	sshrl.u32 s26, $0x1F;
	s20 =	sshra.s32 s2, $0x3  }
0x11b: {  	s26 =	sshrl.u32 s25, $0x1F;
	s1 =	sshra.s32 s2, $0x1F;
	s6 =	sadd.s32 s6, s18  }
0x11c: {  	s12 =	sshra.s32 s0, $0x3;
	s16 =	sshra.s32 s0, $0x1F;
	s4 =	sshra.s32 s6, $0x1F  }
0x11d: {  	v9 =	vmov s10;
	s0 =	sshrl.u32 s0, $0x1F;
	s10 =	sshra.s32 s28, $0x3;
	s28 =	sshrl.u32 s9, $0x1F;
	v7 =	vmov s4  }
0x11e: {  	vm9 =	vcmask $0x704;
	v10 =	vsel vm0, s30, v10;
	s30 =	sshrl.u32 s31, $0x1F;
	s18 =	sshra.s32 s11, $0x3;
	s11 =	sadd.s32 s17, s15;
	v7 =	vsel vm3, s12, v7  }
0x11f: {  	v12 =	vmov s0;
	s17 =	sshrl.u32 s7, $0x1F;
	s15 =	sshra.s32 s31, $0x3;
	v13 =	vmov s18;
	s18 =	sshra.s32 s24, $0x3;
	v7 =	vsel vm9, s16, v7  }
0x120: {  	v9 =	vsel vm0, s26, v9;
	s24 =	sshrl.u32 s2, $0x1F;
	s26 =	sshra.s32 s11, $0x1F;
	s29 =	spop (v2sf);
	vm9 =	vcmask $0xF0C;
	v7 =	vsel vm0, s20, v7  }
0x121: {  	v9 =	vsel vm1, s13, v9;
	v12 =	vnsel vm3, $0x0, v12;
	s2 =	sshra.s32 s3, $0x3;
	s12 =	sshra.s32 s5, $0x3;
	s19 =	spop (v2sf);
	v7 =	vsel vm9, s1, v7  }
0x122: {  	v10 =	vsel vm1, s17, v10;
	s13 =	sshrl.u32 s11, $0x1F;
	v13 =	vsel vm0, s10, v13;
	s16 =	sshra.s32 s5, $0x1F;
	s22 =	spop (v2sf);
	v7 =	vsel vm1, s12, v7  }
0x123: {  	s4 =	sshra.s32 s25, $0x3;
	v12 =	vsel vm0, s24, v12;
	v9 =	vsel vm2, s28, v9;
	s20 =	sshra.s32 s11, $0x3;
	s21 =	spop (v2sf);
	v7 =	vsel vm13, s16, v7  }
0x124: {  	s17 =	sshrl.u32 s3, $0x1F;
	s25 =	sshra.s32 s7, $0x3;
	v10 =	vsel vm2, s30, v10;
	v11 =	vsel vm0, s4, v11;
	s14 =	spop (v2sf);
	v7 =	vsel vm2, s20, v7  }
0x125: {  	s7 =	sshrl.u32 s5, $0x1F;
	s10 =	sshra.s32 s9, $0x3;
	v13 =	vsel vm1, s25, v13;
	s23 =	spop (v2sf);
	(v2sf) =	vpush v6, $0x0;
	v7 =	vsel vm14, s26, v7  }
0x126: {  	s25 =	sshra.s32 s8, $0x1F;
	v11 =	vsel vm1, s18, v11;
	s18 =	rddreg [dreg:$0xe];
	s12 =	sshra.s32 s3, $0x1F;
	(v2sf) =	vpush v6, $0x7;
	v7 =	vsel vm4, s2, v7  }
0x127: {  	v12 =	vsel vm1, s7, v12;
	v9 =	vcombine.low v10, v9;
	s4 =	smulhi.u32 $0x66666667, s19;
	s16 =	sshra.s32 s8, $0x3;
	s20 =	rddreg [dreg:$0xf];
	v7 =	vsel vm15, s12, v7  }
0x128: {  	s7 =	sshrl.u32 s6, $0x1F;
	v12 =	vsel vm2, s13, v12;
	v13 =	vsel vm2, s15, v13;
	s3 =	smulhi.u32 $0x66666667, s29;
	s24 =	sadd.s32 s20, s18;
	v7 =	vsel vm5, s16, v7  }
0x129: {  	v11 =	vsel vm2, s10, v11;
	v10 =	vsel vm4, s17, v12;
	s5 =	smulhi.u32 $0x66666667, s22;
	s26 =	sshrl.u32 s8, $0x1F;
	s28 =	sshra.s32 s24, $0x3;
	v7 =	vsel vm11, s25, v7  }
0x12a: {  	v11 =	vcombine.low v13, v11;
	s10 =	smulhi.u32 $0x66666667, s14;
	v10 =	vsel vm5, s26, v10;
	s30 =	sshrl.u32 s24, $0x1F;
	s2 =	sshra.s32 s24, $0x1F;
	v7 =	vsel vm6, s28, v7  }
0x12b: {  	v9 =	vperm.xlane v9, v2;
	s8 =	sshra.s32 s6, $0x3;
	s1 =	smulhi.u32 $0x66666667, s23;
	s26 =	sshra.s32 s29, $0x1F;
	v10 =	vsel vm6, s30, v10;
	v7 =	vsel vm12, s2, v7  }
0x12c: {  	v11 =	vperm.xlane v11, v2;
	s12 =	rddreg [dreg:$0xd];
	s15 =	smul.u32 $0x66666667, s26;
	s30 =	sshra.s32 s22, $0x1F;
	v10 =	vsel vm7, s7, v10;
	v7 =	vsel vm7, s8, v7  }
0x12d: {  	s20 =	rddreg [dreg:$0xc];
	s0 =	sshra.s32 s12, $0x1F;
	s17 =	smul.u32 $0x66666667, s30;
	v10 =	vperm.xlane v10, v3;
	v7 =	vperm.xlane v7, v3  }
0x12e: {  	s18 =	rddreg [dreg:$0xa];
	s12 =	sshra.s32 s20, $0x1F;
	s13 =	smul.u32 $0x66666667, s0  }
0x12f: {  	s31 =	simm.s32 $0x500;
	s0 =	sshra.s32 s18, $0x1F;
	s12 =	smul.u32 $0x66666667, s12;
	v9 =	vsel vm8, v10, v9;
	v7 =	vsel vm8, v7, v11  }
0x130: {  	s26 =	sshra.s32 s23, $0x1F;
	s25 =	rddreg [dreg:$0xb];
	s24 =	smul.u32 $0x66666667, s0;
	v7 =	vadd.s32 v9, v7  }
0x131: {  	s0 =	sshra.s32 s25, $0x1F;
	s25 =	sshra.s32 s14, $0x1F;
	s14 =	smul.u32 $0x66666667, s26;
	v9 =	vmul.u32 $0xFFFFFFEC, v7  }
0x132: {  	s29 =	simm.s32 $0x0;
	s23 =	rddreg [dreg:$0x6];
	s2 =	smulhi.u32 $0x66666667, s21;
	v10 =	vsub.s32 $0x0, v5  }
0x133: {  	vm9 =	vlt.s32 v5, $0x1;
	s3 =	sadd.s32 s15, s3;
	s28 =	sshra.s32 s19, $0x1F;
	s16 =	smul.u32 $0x66666667, s0;
	vm10 =	vne.s32 v9, v10  }
0x134: {  	s19 =	sshra.s32 s21, $0x1F;
	s18 =	smul.u32 $0x66666667, s28;
	s9 =	spop (v2sf);
	vm9 =	vmand vm9, vm10  }
0x135: {  	s5 =	sadd.s32 s17, s5;
	s20 =	smul.u32 $0x66666667, s19;
	s11 =	spop (v2sf);
	v9 =	vsel vm9, $0xFFFFFFFF, v4;
	(v2sf) =	vpush v6, $0x3  }
0x136: {  	s0 =	smul.u32 $0x66666667, s25;
	s12 =	sadd.s32 s12, s23;
	s25 =	sshrl.u32 s5, $0x1F;
	vm9 =	vlt.s32 v8, $0x0;
	v7 =	vadd.s32 v9, v7  }
0x137: {  	s5 =	sshra.s32 s5, $0x3;
	s1 =	sadd.s32 s14, s1;
	s4 =	sadd.s32 s18, s4;
	v9 =	vadd.s32 $0x14, v8;
	(v2sf) =	vpush v6, $0x4;
	v10 =	vmul.u32 $0x14, v7  }
0x138: {  	v58 =	vmov s25;
	s2 =	sadd.s32 s20, s2;
	s18 =	sshra.s32 s12, $0x3;
	s21 =	sshrl.u32 s1, $0x1F;
	v8 =	vsel vm9, v9, v8  }
0x139: {  	s25 =	sshra.s32 s1, $0x3;
	s0 =	sadd.s32 s0, s10;
	s8 =	smulhi.u32 $0x66666667, s9;
	(v2sf) =	vpush v6, $0x6;
	v9 =	vadd.s32 v8, v10;
	v10 =	vshll.u32 v5, $0x3  }
0x13a: {  	s1 =	sshra.s32 s1, $0x1F;
	s6 =	sshra.s32 s9, $0x1F;
	s7 =	smulhi.u32 $0x66666667, s11;
	(v2sf) =	vpush v6, $0x5;
	v9 =	vshll.u32 v9, $0x3  }
0x13b: {  	s26 =	sshrl.u32 s2, $0x1F;
	s28 =	smul.u32 $0x66666667, s6;
	s30 =	sshra.s32 s11, $0x1F;
	v11 =	vor.u32 $0x2, v10  }
0x13c: {  	s2 =	sshra.s32 s2, $0x3;
	s11 =	rddreg [dreg:$0x8];
	s22 =	smul.u32 $0x66666667, s30;
	v13 =	vor.u32 $0x1, v10  }
0x13d: {  	v19 =	vmov s5;
	v17 =	vmov s26;
	s9 =	rddreg [dreg:$0x7];
	s6 =	sadd.s32 s24, s11;
	s8 =	sadd.s32 s28, s8;
	v14 =	vor.u32 $0x3, v10  }
0x13e: {  	v20 =	vmov s2;
	vm9 =	vcmask $0x704;
	s28 =	sshrl.u32 s3, $0x1F;
	s3 =	sshra.s32 s3, $0x3;
	s15 =	sadd.s32 s22, s7;
	v12 =	vor.u32 $0x1, v9;
	v10 =	vld.idx.msk [tilespmem:v10+s29+$0x0], $0xffff  }
0x13f: {  	s30 =	sshrl.u32 s8, $0x1F;
	v16 =	vsel vm0, s28, v58;
	s7 =	sshrl.u32 s4, $0x1F;
	s4 =	sshra.s32 s4, $0x3;
	v19 =	vsel vm0, s3, v19;
	v18 =	vor.u32 $0x2, v9;
	v15 =	vld.idx.msk [tilespmem:v9+s31+$0x0], $0xffff  }
0x140: {  	s24 =	rddreg [dreg:$0x9];
	s11 =	sshrl.u32 s12, $0x1F;
	s5 =	sshra.s32 s15, $0x1F;
	v21 =	vmov s30;
	v17 =	vsel vm0, s7, v17;
	v20 =	vsel vm0, s4, v20;
	v11 =	vld.idx.msk [tilespmem:v11+s29+$0x0], $0xffff  }
0x141: {  	s9 =	sadd.s32 s13, s9;
	s13 =	sadd.s32 s16, s24;
	s16 =	sshra.s32 s8, $0x3;
	v16 =	vsel vm1, s11, v16;
	v22 =	vmov s5;
	v9 =	vor.u32 $0x3, v9;
	v13 =	vld.idx.msk [tilespmem:v13+s29+$0x0], $0xffff  }
0x142: {  	s17 =	sshrl.u32 s13, $0x1F;
	s19 =	sshra.s32 s13, $0x3;
	s22 =	sshra.s32 s8, $0x1F;
	v19 =	vsel vm1, s18, v19;
	v21 =	vnsel vm3, $0x0, v21;
	v22 =	vsel vm3, s16, v22;
	v14 =	vld.idx.msk [tilespmem:v14+s29+$0x0], $0xffff  }
0x143: {  	s20 =	sshrl.u32 s9, $0x1F;
	s23 =	sshrl.u32 s6, $0x1F;
	s24 =	sshra.s32 s9, $0x3;
	v17 =	vsel vm1, s17, v17;
	v20 =	vsel vm1, s19, v20;
	v22 =	vsel vm9, s22, v22;
	v12 =	vld.idx.msk [tilespmem:v12+s31+$0x0], $0xffff  }
0x144: {  	s26 =	sshra.s32 s6, $0x3;
	s28 =	sshrl.u32 s0, $0x1F;
	v16 =	vsel vm2, s20, v16;
	vm9 =	vcmask $0xF0C;
	v22 =	vsel vm0, s25, v22;
	v18 =	vld.idx.msk [tilespmem:v18+s31+$0x0], $0xffff;
	s4 =	spop (v2sf)  }
0x145: {  	s30 =	sshra.s32 s0, $0x3;
	v19 =	vsel vm2, s24, v19;
	v21 =	vsel vm0, s21, v21;
	v22 =	vsel vm9, s1, v22;
	s5 =	smulhi.u32 $0x66666667, s4;
	s2 =	sshra.s32 s4, $0x1F  }
0x146: {  	s0 =	sshra.s32 s0, $0x1F;
	v17 =	vsel vm2, s23, v17;
	v20 =	vsel vm2, s26, v20;
	v60 =	vsel vm1, s30, v22;
	v9 =	vld.idx.msk [tilespmem:v9+s31+$0x0], $0xffff;
	s7 =	spop (v2sf);
	s6 =	smul.u32 $0x66666667, s2  }
0x147: {  	v16 =	vcombine.low v17, v16;
	v59 =	vsel vm1, s28, v21;
	v21 =	vsel vm13, s0, v60;
	s8 =	smulhi.u32 $0x66666667, s7;
	s0 =	sshra.s32 s7, $0x1F  }
0x148: {  	v23 =	vsub.f32 v11, v10;
	v62 =	vsub.f32 v14, v13;
	v10 =	vmax.f32 v10, v15;
	s9 =	spop (v2sf);
	s0 =	smul.u32 $0x66666667, s0  }
0x149: {  	v15 =	vsub.f32 v18, v15;
	v24 =	vsub.f32 v18, v12;
	v12 =	vmax.f32 v13, v12;
	s10 =	spop (v2sf);
	s16 =	smulhi.u32 $0x66666667, s9  }
0x14a: {  	v11 =	vmin.f32 v11, v18;
	v61 =	vadd.f32 $1.000000000e+00, v23;
	v13 =	vadd.f32 $1.000000000e+00, v62;
	s1 =	sadd.s32 s6, s5;
	s11 =	smulhi.u32 $0x66666667, s10;
	s3 =	sshra.s32 s10, $0x1F  }
0x14b: {  	s25 =	rddreg [dreg:$0x4];
	v9 =	vmin.f32 v14, v9;
	s12 =	sshra.s32 s1, $0x3;
	v14 =	vadd.f32 $1.000000000e+00, v15;
	v15 =	vadd.f32 $1.000000000e+00, v24;
	s13 =	smul.u32 $0x66666667, s3  }
0x14c: {  	v10 =	vsub.f32 v11, v10;
	s4 =	sshra.s32 s9, $0x1F;
	s0 =	sadd.s32 s0, s8;
	s14 =	sshra.s32 s1, $0x1F;
	v63 =	vsel vm2, s12, v21;
	v9 =	vsub.f32 v9, v12  }
0x14d: {  	s4 =	smul.u32 $0x66666667, s4;
	s17 =	sshra.s32 s0, $0x3;
	v12 =	vmul.f32 v13, v61;
	v11 =	vsel vm14, s14, v63;
	v13 =	vmul.f32 v15, v14;
	s2 =	sadd.s32 s13, s11  }
0x14e: {  	v10 =	vmax.f32 v10, $0.0e+00;
	s1 =	sshrl.u32 s1, $0x1F;
	s18 =	sshra.s32 s0, $0x1F;
	v11 =	vsel vm4, s17, v11;
	v9 =	vmax.f32 v9, $0.0e+00;
	s19 =	sshra.s32 s2, $0x3  }
0x14f: {  	s21 =	sshra.s32 s2, $0x1F;
	s22 =	sshrl.u32 s2, $0x1F;
	s2 =	sadd.s32 $0x1, s25;
	v11 =	vsel vm15, s18, v11;
	v9 =	vmul.f32 v9, v10;
	v10 =	vadd.f32 v13, v12  }
0x150: {  	s0 =	sshrl.u32 s0, $0x1F;
	s20 =	sadd.s32 s4, s16;
	v12 =	vsel vm2, s1, v59;
	v13 =	vcombine.low v20, v19;
	p1 =	seq.s32 s2, $0x0;
	v11 =	vsel vm5, s19, v11  }
.Ltmp2:
0x151: {  	s23 =	sshra.s32 s20, $0x3;
	v12 =	vsel vm4, s0, v12;
	v14 =	vsel vm11, s21, v11;
	v10 =	vsub.f32 v10, v9;
	(pc) =	sbr.rel @!p1 .LBB2_5-.Ltmp2, $4  }
0x152: {  	s24 =	sshrl.u32 s20, $0x1F;
	s1 =	sshra.s32 s20, $0x1F;
	v11 =	vperm.xlane v16, v2;
	v12 =	vsel vm5, s22, v12;
	v14 =	vsel vm6, s23, v14  }
0x153: {  	s26 =	sshrl.u32 s15, $0x1F;
	s28 =	sshra.s32 s15, $0x3;
	v12 =	vsel vm6, s24, v12;
	v14 =	vsel vm12, s1, v14;
	(erf) = vrcp.f32 v10  }
0x154: {  	s30 =	rddreg [dreg:$0x5];
	v10 =	vsel vm7, s26, v12;
	v12 =	vperm.xlane v13, v2;
	v14 =	vsel vm7, s28, v14  }
0x155: {  	s0 =	sadd.s32 $0x10, s30;
	v13 =	vperm.xlane v10, v3;
	v14 =	vperm.xlane v14, v3  }
0x156: {  	s12 =	rddreg [dreg:$0x1b]  }
0x157: {  	v10 =	vmov v6;
	s30 =	simm.s32 $0x1;
	s0 =	rddreg [dreg:$0x3]  }
.LBB2_7:
0x158: {  	v6 =	vsel vm8, v13, v11;
	v34 =	vsel vm8, v14, v12  }
0x159: {  	v6 =	vadd.s32 v6, v34  }
0x15a: {  	v35 =	vmov s0;
	vm9 =	vgt.s32 v10, $0x0;
	v36 =	vmul.u32 $0xFFFFFFEC, v6  }
0x15b: {  	v11 =	vshra.s32 v35, $0x1F;
	v37 =	vsel vm9, $0x1, v4  }
0x15c: {  	v11 =	vadd.s32 v37, v11;
	v38 =	vadd.s32 v10, v36  }
0x15d: {  	vm9 =	vne.s32 v11, $0x1;
	vm10 =	vne.s32 v38, $0x0  }
0x15e: {  	vm9 =	vmand vm10, vm9  }
0x15f: {  	v39 =	vsel vm9, $0xFFFFFFFF, v4  }
0x160: {  	v6 =	vadd.s32 v39, v6  }
0x161: {  	(v2sf) =	vpush v6, $0xF  }
0x162: {  	(v2sf) =	vpush v6, $0xB;
	_ =	sdelay $0x1  }
0x163: {  	(v2sf) =	vpush v6, $0x6;
	_ =	sdelay $0x1  }
0x164: {  	(v2sf) =	vpush v6, $0xE;
	_ =	sdelay $0x1  }
0x165: {  	(v2sf) =	vpush v6, $0xA;
	_ =	sdelay $0x1  }
0x166: {  	(v2sf) =	vpush v6, $0xD;
	_ =	sdelay $0x1  }
0x167: {  	(v2sf) =	vpush v6, $0x9;
	_ =	sdelay $0x1  }
0x168: {  	(v2sf) =	vpush v6, $0x5;
	_ =	sdelay $0x1  }
0x169: {  	(v2sf) =	vpush v6, $0xC;
	s28 =	spop (v2sf)  }
0x16a: {  	s1 =	smulhi.u32 $0x66666667, s28;
	s2 =	spop (v2sf)  }
0x16b: {  	(v2sf) =	vpush v6, $0x8;
	s0 =	sshra.s32 s28, $0x1F;
	s4 =	smulhi.u32 $0x66666667, s2  }
0x16c: {  	s3 =	spop (v2sf);
	s26 =	smul.u32 $0x66666667, s0  }
0x16d: {  	(v2sf) =	vpush v6, $0x4;
	s2 =	sshra.s32 s2, $0x1F;
	s5 =	smulhi.u32 $0x66666667, s3  }
0x16e: {  	s6 =	spop (v2sf);
	s2 =	smul.u32 $0x66666667, s2  }
0x16f: {  	(v2sf) =	vpush v6, $0x3;
	s3 =	sshra.s32 s3, $0x1F;
	s7 =	smulhi.u32 $0x66666667, s6  }
0x170: {  	s8 =	spop (v2sf);
	s0 =	smul.u32 $0x66666667, s3  }
0x171: {  	(v2sf) =	vpush v6, $0x2;
	s6 =	sshra.s32 s6, $0x1F;
	s9 =	smulhi.u32 $0x66666667, s8  }
0x172: {  	s10 =	spop (v2sf);
	s6 =	smul.u32 $0x66666667, s6  }
0x173: {  	s8 =	sshra.s32 s8, $0x1F;
	s11 =	smulhi.u32 $0x66666667, s10  }
0x174: {  	(v2sf) =	vpush v6, $0x1;
	s13 =	spop (v2sf);
	s28 =	sshra.s32 s10, $0x1F;
	s10 =	smul.u32 $0x66666667, s8  }
0x175: {  	(v2sf) =	vpush v6, $0x0;
	s14 =	smulhi.u32 $0x66666667, s13  }
0x176: {  	(v2sf) =	vpush v6, $0x7;
	s15 =	spop (v2sf);
	s8 =	smul.u32 $0x66666667, s28  }
0x177: {  	s13 =	sshra.s32 s13, $0x1F;
	s16 =	smulhi.u32 $0x66666667, s15  }
0x178: {  	s17 =	spop (v2sf);
	s13 =	smul.u32 $0x66666667, s13  }
0x179: {  	s3 =	sadd.s32 s26, s1;
	s15 =	sshra.s32 s15, $0x1F;
	s18 =	smulhi.u32 $0x66666667, s17  }
0x17a: {  	s1 =	sadd.s32 s2, s4;
	s19 =	spop (v2sf);
	s2 =	smul.u32 $0x66666667, s15  }
0x17b: {  	s11 =	sadd.s32 s8, s11;
	s15 =	sshra.s32 s17, $0x1F;
	s20 =	smulhi.u32 $0x66666667, s19  }
0x17c: {  	s8 =	sadd.s32 s6, s7;
	s21 =	spop (v2sf);
	s6 =	smul.u32 $0x66666667, s15  }
0x17d: {  	s19 =	sshra.s32 s19, $0x1F;
	s22 =	smulhi.u32 $0x66666667, s21  }
0x17e: {  	s23 =	spop (v2sf);
	s19 =	smul.u32 $0x66666667, s19  }
0x17f: {  	[dreg:$0x1e] =	wrdreg s5;
	s21 =	sshra.s32 s21, $0x1F;
	s5 =	smulhi.u32 $0x66666667, s23  }
0x180: {  	s7 =	sadd.s32 s10, s9;
	s24 =	spop (v2sf);
	s9 =	smul.u32 $0x66666667, s21  }
0x181: {  	s13 =	sadd.s32 s13, s14;
	s23 =	sshra.s32 s23, $0x1F;
	s25 =	smulhi.u32 $0x66666667, s24  }
0x182: {  	s2 =	sadd.s32 s2, s16;
	s18 =	sadd.s32 s6, s18;
	s14 =	smul.u32 $0x66666667, s23  }
0x183: {  	s16 =	sadd.s32 s19, s20;
	s19 =	sshra.s32 s24, $0x1F;
	s28 =	spop (v2sf)  }
0x184: {  	s6 =	sadd.s32 s9, s22;
	s9 =	smul.u32 $0x66666667, s19;
	s4 =	spop (v2sf)  }
0x185: {  	s17 =	smulhi.u32 $0x66666667, s4;
	s15 =	spop (v2sf)  }
0x186: {  	s10 =	smulhi.u32 $0x66666667, s15;
	s15 =	sshra.s32 s15, $0x1F  }
0x187: {  	s4 =	sshra.s32 s4, $0x1F;
	s15 =	smul.u32 $0x66666667, s15  }
0x188: {  	s24 =	sshrl.u32 s18, $0x1F;
	s18 =	sshra.s32 s18, $0x3;
	s20 =	smul.u32 $0x66666667, s4  }
0x189: {  	vm13 =	vcmask $0x1714;
	s26 =	smulhi.u32 $0x66666667, s28;
	s21 =	sshra.s32 s28, $0x1F;
	s4 =	sadd.s32 s15, s10  }
0x18a: {  	vm14 =	vcmask $0x1F1C;
	vm15 =	vcmask $0x2724;
	vm11 =	vcmask $0x2F2C;
	s22 =	sadd.s32 s20, s17;
	s10 =	smul.u32 $0x66666667, s21;
	s23 =	sshra.s32 s4, $0x1F  }
0x18b: {  	vm12 =	vcmask $0x3734;
	vm9 =	vcmask $0x704;
	s9 =	sadd.s32 s9, s25;
	s20 =	sshrl.u32 s16, $0x1F;
	s25 =	sshra.s32 s22, $0x3;
	v40 =	vmov s23  }
0x18c: {  	v41 =	vmov s24;
	v43 =	vmov s18;
	s16 =	sshra.s32 s16, $0x3;
	s28 =	sshra.s32 s22, $0x1F;
	s10 =	sadd.s32 s10, s26;
	v11 =	vsel vm3, s25, v40  }
0x18d: {  	s18 =	rddreg [dreg:$0x1e];
	s15 =	sshrl.u32 s22, $0x1F;
	v42 =	vmov s20;
	v16 =	vmov s16;
	s19 =	sshra.s32 s10, $0x3;
	v11 =	vsel vm9, s28, v11  }
0x18e: {  	s20 =	sshrl.u32 s11, $0x1F;
	s22 =	sshrl.u32 s13, $0x1F;
	v15 =	vmov s15;
	s21 =	sshra.s32 s10, $0x1F;
	vm9 =	vcmask $0xF0C;
	v11 =	vsel vm0, s19, v11  }
0x18f: {  	s11 =	sshra.s32 s11, $0x3;
	s13 =	sshra.s32 s13, $0x3;
	v12 =	vsel vm0, s20, v41;
	v13 =	vsel vm0, s22, v42;
	s23 =	sshra.s32 s9, $0x3;
	v11 =	vsel vm9, s21, v11  }
0x190: {  	s5 =	sadd.s32 s14, s5;
	s24 =	sshra.s32 s9, $0x1F;
	v14 =	vsel vm0, s11, v43;
	v16 =	vsel vm0, s13, v16;
	s26 =	sshrl.u32 s7, $0x1F;
	v11 =	vsel vm1, s23, v11  }
0x191: {  	v15 =	vnsel vm3, $0x0, v15;
	s7 =	sshra.s32 s7, $0x3;
	s25 =	sshrl.u32 s8, $0x1F;
	v13 =	vsel vm1, s26, v13;
	s28 =	sshra.s32 s5, $0x3;
	v11 =	vsel vm13, s24, v11  }
0x192: {  	s13 =	sshra.s32 s5, $0x1F;
	s8 =	sshra.s32 s8, $0x3;
	s10 =	sshrl.u32 s10, $0x1F;
	v16 =	vsel vm1, s7, v16;
	v12 =	vsel vm1, s25, v12;
	v11 =	vsel vm2, s28, v11  }
0x193: {  	s16 =	sshrl.u32 s1, $0x1F;
	s1 =	sshra.s32 s1, $0x3;
	s15 =	sshra.s32 s6, $0x3;
	v14 =	vsel vm1, s8, v14;
	v15 =	vsel vm0, s10, v15;
	v11 =	vsel vm14, s13, v11  }
0x194: {  	s14 =	sshrl.u32 s3, $0x1F;
	s17 =	sshra.s32 s6, $0x1F;
	s9 =	sshrl.u32 s9, $0x1F;
	v13 =	vsel vm2, s16, v13;
	v16 =	vsel vm2, s1, v16;
	v11 =	vsel vm4, s15, v11  }
0x195: {  	s3 =	sshra.s32 s3, $0x3;
	s5 =	sshrl.u32 s5, $0x1F;
	v12 =	vsel vm2, s14, v12;
	v15 =	vsel vm1, s9, v15;
	s19 =	sshra.s32 s2, $0x3;
	v11 =	vsel vm15, s17, v11  }
0x196: {  	s0 =	sadd.s32 s0, s18;
	s20 =	sshrl.u32 s6, $0x1F;
	v14 =	vsel vm2, s3, v14;
	v15 =	vsel vm2, s5, v15;
	s21 =	sshra.s32 s2, $0x1F;
	v11 =	vsel vm5, s19, v11  }
0x197: {  	s22 =	sshra.s32 s0, $0x3;
	s2 =	sshrl.u32 s2, $0x1F;
	v12 =	vcombine.low v13, v12;
	v15 =	vsel vm4, s20, v15;
	v11 =	vsel vm11, s21, v11  }
0x198: {  	v44 =	vcombine.low v16, v14;
	s23 =	sshrl.u32 s0, $0x1F;
	s0 =	sshra.s32 s0, $0x1F;
	v15 =	vsel vm5, s2, v15;
	v11 =	vsel vm6, s22, v11  }
0x199: {  	s25 =	sshra.s32 s4, $0x3;
	s24 =	sshrl.u32 s4, $0x1F;
	v12 =	vperm.xlane v12, v2;
	v45 =	vsel vm6, s23, v15;
	v11 =	vsel vm12, s0, v11  }
0x19a: {  	v13 =	vperm.xlane v44, v2;
	v14 =	vsel vm7, s24, v45;
	v11 =	vsel vm7, s25, v11  }
0x19b: {  	v14 =	vperm.xlane v14, v3;
	v11 =	vperm.xlane v11, v3;
	_ =	sdelay $0x1  }
0x19c: {  	v12 =	vsel vm8, v14, v12;
	v11 =	vsel vm8, v11, v13  }
0x19d: {  	v11 =	vadd.s32 v12, v11  }
0x19e: {  	v12 =	vmul.u32 $0xFFFFFFEC, v11  }
0x19f: {  	v46 =	vsub.s32 $0x0, v6  }
0x1a0: {  	v5 =	vmul.u32 @p0 $0x18, v5;
	vm9 =	vlt.s32 v6, $0x1;
	vm10 =	vne.s32 v12, v46  }
0x1a1: {  	v7 =	vadd.s32 @p0 v0, v7;
	v13 =	vand.u32 @p0 $0xFFFFFFF8, v8;
	vm9 =	vmand vm9, vm10  }
0x1a2: {  	v8 =	vand.u32 @p0 $0x7, v8;
	v5 =	vadd.s32 @p0 v13, v5;
	v47 =	vsel vm9, $0xFFFFFFFF, v4  }
0x1a3: {  	v48 =	vadd.s32 $0x14, v38;
	v5 =	vor.u32 @p0 v8, v5;
	v11 =	vadd.s32 v47, v11  }
0x1a4: {  	v51 =	vshll.u32 v6, $0x3;
	vm9 =	vlt.s32 v38, $0x0;
	v12 =	vpop @p0 (erf);
	v49 =	vmul.u32 $0x14, v11  }
0x1a5: {  	v53 =	vor.u32 $0x3, v51;
	v10 =	vsel vm9, v48, v38;
	v9 =	vmul.f32 @p0 v12, v9  }
0x1a6: {  	vm9 =	veq.s32 @p0 v7, $0xF8;
	v7 =	vor.u32 $0x2, v51;
	v50 =	vadd.s32 v10, v49  }
0x1a7: {  	s1 =	simm.s32 $0xA00;
	v9 =	vsel @p0 vm9, $0x0, v9;
	v8 =	vshll.u32 v50, $0x3  }
0x1a8: {  	[tilespmem:v5+s1+$0x0] =	vst.idx.msk @p0 $0xffff, v9;
	v5 =	vor.u32 $0x1, v51  }
0x1a9: {  	v12 =	vld.idx.msk [tilespmem:v51+s29+$0x0], $0xffff;
	v52 =	vor.u32 $0x1, v8  }
0x1aa: {  	v9 =	vld.idx.msk [tilespmem:v53+s29+$0x0], $0xffff;
	v55 =	vor.u32 $0x2, v8  }
0x1ab: {  	v7 =	vld.idx.msk [tilespmem:v7+s29+$0x0], $0xffff  }
0x1ac: {  	v54 =	vld.idx.msk [tilespmem:v8+s31+$0x0], $0xffff;
	v8 =	vor.u32 $0x3, v8  }
0x1ad: {  	v5 =	vld.idx.msk [tilespmem:v5+s29+$0x0], $0xffff  }
0x1ae: {  	v13 =	vld.idx.msk [tilespmem:v52+s31+$0x0], $0xffff  }
0x1af: {  	v15 =	vld.idx.msk [tilespmem:v55+s31+$0x0], $0xffff;
	_ =	sdelay $0x1  }
0x1b0: {  	v56 =	vsub.f32 v7, v12;
	v8 =	vld.idx.msk [tilespmem:v8+s31+$0x0], $0xffff;
	_ =	sdelay $0x1  }
0x1b1: {  	v16 =	vadd.f32 $1.000000000e+00, v56;
	v17 =	vsub.f32 v9, v5  }
0x1b2: {  	v12 =	vmax.f32 v12, v54;
	v14 =	vsub.f32 v15, v54;
	v18 =	vsub.f32 v15, v13  }
0x1b3: {  	v5 =	vmax.f32 v5, v13;
	v57 =	vadd.f32 $1.000000000e+00, v17;
	v7 =	vmin.f32 v7, v15  }
0x1b4: {  	v58 =	vadd.f32 $1.000000000e+00, v14;
	v59 =	vadd.f32 $1.000000000e+00, v18;
	v8 =	vmin.f32 v9, v8  }
0x1b5: {  	v7 =	vsub.f32 v7, v12;
	v5 =	vsub.f32 v8, v5  }
0x1b6: {  	v60 =	vmul.f32 v57, v16;
	v61 =	vmul.f32 v59, v58  }
0x1b7: {  	v7 =	vmax.f32 v7, $0.0e+00;
	v5 =	vmax.f32 v5, $0.0e+00  }
0x1b8: {  	v5 =	vmul.f32 v5, v7;
	v7 =	vadd.f32 v61, v60;
	_ =	sdelay $0x1  }
0x1b9: {  	v7 =	vsub.f32 v7, v5;
	_ =	sdelay $0x1  }
0x1ba: {  	(erf) = vrcp.f32 v7;
	_ =	sdelay $0x4  }
0x1bb: {  	v6 =	vmul.u32 $0x18, v6  }
0x1bc: {  	v7 =	vand.u32 $0xFFFFFFF8, v10  }
0x1bd: {  	v62 =	vand.u32 $0x7, v10;
	v6 =	vadd.s32 v7, v6  }
0x1be: {  	v6 =	vor.u32 v62, v6  }
0x1bf: {  	v7 =	vpop (erf)  }
0x1c0: {  	v63 =	vadd.s32 v0, v11;
	v5 =	vmul.f32 v7, v5  }
0x1c1: {  	vm9 =	veq.s32 v63, $0xF8  }
0x1c2: {  	v5 =	vsel vm9, $0x0, v5  }
0x1c3: {  	s26 =	rddreg [dreg:$0x18];
	[tilespmem:v6+s1+$0x0] =	vst.idx.msk $0xffff, v5  }
0x1c4: {  	[hbm4b:s26+s29] =	stream.linear.scatter [tilespmem:s1], [sflag:$0x1], $0xF00, $0x38;
	[tilespmem:$0x1900] =	vst v63  }
0x1c5: {  	_ =	swait.ge [sflag:s30], $0xF00  }
0x1c6: {  	s12 =	sadd.s32 $0x1, s12;
	s28 =	rddreg [dreg:$0x19]  }
0x1c7: {  	p0 =	sne.s32 s12, s28  }
.Ltmp3:
0x1c8: {  	_ = 	snop;
	(pc) =	sbr.rel @p0 .LBB2_1-.Ltmp3, $4  }
.Ltmp4:
0x1c9: {  	_ = 	snop;
	(pc) =	sbr.rel @!p0 .LBB2_8-.Ltmp4, $4  }
0x1ca: {  	_ = 	snop  }
0x1cb: {  	[sflag:s30] =	ssyncset.done $0x0  }
0x1cc: {  	[sflag:s30] =	ssyncadd.s32 $0xFFFFF100  }
0x1cd: {  	_ = 	snop  }
.LBB2_2:
.Ltmp5:
0x1ce: {  	(pc) =	sbr.rel .LBB2_7-.Ltmp5, $2  }
0x1cf: {  	_ =	sdelay $0x2  }
0x1d0: {  	s0 =	simm.s32 $0x0;
	s12 =	rddreg [dreg:$0x1b]  }
.LBB2_4:
.Ltmp6:
0x1d1: {  	(pc) =	sbr.rel .LBB2_7-.Ltmp6, $2  }
0x1d2: {  	_ =	sdelay $0x2  }
0x1d3: {  	v10 =	vmov v6;
	s30 =	simm.s32 $0x1;
	s12 =	rddreg [dreg:$0x1b];
	s0 =	simm.s32 $0x10  }
.LBB2_8:
0x1d4: {  	_ =	sfence.sel $0x180000  }
0x1d5: {  	[bflag:$0x0] =	sbarrier.arrive $0xFFFF  }
0x1d6: {  	_ =	strace $0x90000047  }
0x1d7: {  	s0 =	stileid.u32;
	[bflag:$0x2] =	sbarrier.arrive $0xFFFF  }
0x1d8: {  	p0 =	sne.s32 s0, $0x0;
	s0 =	rddreg [dreg:$0x2]  }
0x1d9: {  	s0 =	sadd.s32 @!p0 $0x100000, s0  }
0x1da: {  	[sflag:s0] =	ssyncadd.tile.s32 @!p0 $0x1;
	_ =	shalt  }
.Lfunc_end2:
_tile_overlayer_lowered:
.L_overlay_start_2:
0x1db: {  	(tag) =	ssettag $0x2  }
0x1dc: {  	s0 =	rddreg [dreg:$0x0];
	s2 =	stileid.u32  }
0x1dd: {  	s1 =	rddreg [dreg:$0x1];
	p0 =	sne.s32 s2, $0x0  }
0x1de: {  	s3 =	rddreg [dreg:$0x2];
	[bflag:$0x3] =	sbarrier.arrive $0xFFFF;
	s2 =	simm.s32 @!p0 $0x1C01  }
0x1df: {  	[timem:s3], [sflag:s2] =	dma.local @!p0 [hbm:s0], s1  }
0x1e0: {  	s0 =	simm.s32 @!p0 $0x1  }
0x1e1: {  	_ =	swait.ge @!p0 [sflag:s0], s1  }
0x1e2: {  	s1 =	ssub.s32 @!p0 $0x0, s1;
	[sflag:s0] =	ssyncset.done @!p0 $0x0  }
0x1e3: {  	[sflag:s0] =	ssyncadd.s32 @!p0 s1  }
0x1e4: {  	[bflag:$0x3] =	sbarrier.arrive $0xFFFF  }
0x1e5: {  	_ =	shalt  }

</sc_bundles>
